<compile_context>
chip_gen: v7x
topology: tpu7x:2x2x1
jax: 0.10.2.dev20260603
libtpu: 0.0.44.dev20260713+nightly
codegen_flags: <defaults>
</compile_context>

<pallas_src>
import functools

import jax
import jax.numpy as jnp
from jax import lax
from jax.experimental import pallas as pl
from jax.experimental.pallas import tpu as pltpu
from jax.experimental.pallas import tpu_sc as plsc

_N_CODES = 512
_CODE_DIM = 64
_H_TILE = 32

_NC = 2
_NS = 16
_NW = _NC * _NS
_CHUNK = 128


def _vq_tc_body(z_ref, cb_ref, idx_ref, acc_ref):
    x = z_ref[0].reshape(_CODE_DIM, _H_TILE * 64)
    cb = cb_ref[...]
    cnorm = jnp.sum(cb * cb, axis=1)
    znorm = jnp.sum(x * x, axis=0)
    s2 = lax.dot_general(cb * (-2.0), x, (((1,), (0,)), ((), ())),
                         preferred_element_type=jnp.float32)
    dist = (znorm[None, :] + s2) + cnorm[:, None]
    m = jnp.min(dist, axis=0)
    kiota = lax.broadcasted_iota(jnp.int32, dist.shape, 0).astype(jnp.float32)
    idx_f = jnp.min(jnp.where(dist == m[None, :], kiota,
                              jnp.float32(_N_CODES)), axis=0)
    idx_ref[0] = idx_f.astype(jnp.int32).reshape(idx_ref.shape[1:])

    @pl.when((pl.program_id(0) == 0) & (pl.program_id(1) == 0))
    def _():
        acc_ref[0, 0] = 0.0

    acc_ref[0, 0] += jnp.sum(m)


def _sc_gather_body(cb_hbm, idx_hbm, out_hbm, idx_v, rows_a, rows_b, cb_sh,
                    sga, sgb, soa, sob, *, n_streams):
    w = lax.axis_index("s") * _NC + lax.axis_index("c")
    qc = n_streams // 4
    qrows = qc * _CHUNK

    @pl.when(lax.axis_index("s") == 0)
    def _():
        pltpu.sync_copy(cb_hbm, cb_sh)

    pltpu.sync_copy(idx_hbm.at[w], idx_v)
    plsc.subcore_barrier()

    bufs = [rows_a, rows_b]
    gsems = [sga, sgb]
    osems = [soa, sob]

    def fire(q):
        return [pltpu.async_copy(
            cb_sh.at[idx_v.at[q * qc + j]],
            bufs[q % 2].at[pl.ds(j * _CHUNK, _CHUNK)], gsems[q % 2])
            for j in range(qc)]

    def out(q):
        return pltpu.async_copy(
            bufs[q % 2], out_hbm.at[w, pl.ds(q * qrows, qrows)], osems[q % 2])

    g0 = fire(0)
    g1 = fire(1)
    for d in g0:
        d.wait()
    o0 = out(0)
    for d in g1:
        d.wait()
    o0.wait()
    g2 = fire(2)
    o1 = out(1)
    for d in g2:
        d.wait()
    o1.wait()
    g3 = fire(3)
    o2 = out(2)
    for d in g3:
        d.wait()
    o3 = out(3)
    o2.wait()
    o3.wait()


def _run_part(zh, codebook):
    Bh, C, H, W = zh.shape
    nh = H // _H_TILE
    n_tok = Bh * H * W
    idx3, acc = pl.pallas_call(
        _vq_tc_body,
        grid=(Bh, nh),
        in_specs=[
            pl.BlockSpec((1, C, _H_TILE, W), lambda b, h: (b, 0, h, 0)),
            pl.BlockSpec((_N_CODES, _CODE_DIM), lambda b, h: (0, 0)),
        ],
        out_specs=[
            pl.BlockSpec((1, _H_TILE * W // _CHUNK, _CHUNK),
                         lambda b, h, nh=nh: (b * nh + h, 0, 0)),
            pl.BlockSpec(memory_space=pltpu.SMEM),
        ],
        out_shape=[
            jax.ShapeDtypeStruct((Bh * nh, _H_TILE * W // _CHUNK, _CHUNK),
                                 jnp.int32),
            jax.ShapeDtypeStruct((1, 1), jnp.float32),
        ],
    )(zh, codebook)

    per_w = n_tok // _NW
    sc_gather = pl.kernel(
        functools.partial(_sc_gather_body, n_streams=per_w // _CHUNK),
        out_type=jax.ShapeDtypeStruct((_NW, per_w, _CODE_DIM), jnp.float32),
        mesh=plsc.VectorSubcoreMesh(core_axis_name="c", subcore_axis_name="s"),
        scratch_types=[
            pltpu.VMEM((per_w // _CHUNK, _CHUNK), jnp.int32),
            pltpu.VMEM((per_w // 4, _CODE_DIM), jnp.float32),
            pltpu.VMEM((per_w // 4, _CODE_DIM), jnp.float32),
            pltpu.VMEM_SHARED((_N_CODES, _CODE_DIM), jnp.float32),
            pltpu.SemaphoreType.DMA,
            pltpu.SemaphoreType.DMA,
            pltpu.SemaphoreType.DMA,
            pltpu.SemaphoreType.DMA,
        ],
        compiler_params=pltpu.CompilerParams(use_tc_tiling_on_sc=False),
    )
    zq_rows = sc_gather(codebook, idx3.reshape(_NW, per_w // _CHUNK, _CHUNK))
    z_q_st = zq_rows.reshape(Bh, H, W, C).transpose(0, 3, 1, 2)
    return z_q_st, acc, idx3.reshape(Bh, H * W)


@jax.jit
def kernel(z, codebook):
    B, C, H, W = z.shape
    z_q_st, acc, indices = _run_part(z, codebook)
    vq_loss = acc[0, 0] * jnp.float32(1.25 / (B * C * H * W))
    return z_q_st, vq_loss, indices

# --- scband reference (transcript-rebuilt; emitter-appended) ---
"""Pipeline reference for scband-vector-quantizer-44358422233166 (READ-ONLY COPY).

The authoritative reference and input builder live on the scoring server;
editing this copy changes nothing except your own understanding.
"""

import jax, jax.numpy as jnp
import numpy as np

N_CODES = 512
CODE_DIM = 64
BETA = 0.25


def setup_inputs(seed: int = 0) -> dict:
    key = jax.random.key(seed)
    k1, k2 = jax.random.split(key)
    z = jax.random.normal(k1, (16, 64, 64, 64), dtype=jnp.float32)
    codebook = jax.random.uniform(k2, (N_CODES, CODE_DIM), dtype=jnp.float32,
                                  minval=-1.0 / N_CODES, maxval=1.0 / N_CODES)
    return {"z": z, "codebook": codebook}


def reference(z, codebook):
    B, C, H, W = z.shape
    z_flat = jnp.transpose(z, (0, 2, 3, 1)).reshape(-1, C)
    dist = (jnp.sum(z_flat ** 2, axis=1, keepdims=True)
            - 2.0 * z_flat @ codebook.T
            + jnp.sum(codebook ** 2, axis=1))
    indices = jnp.argmin(dist, axis=1)
    z_q = jnp.take(codebook, indices, axis=0).reshape(B, H, W, C)
    z_q = jnp.transpose(z_q, (0, 3, 1, 2))
    vq_loss = (jnp.mean((jax.lax.stop_gradient(z_q) - z) ** 2) * BETA
               + jnp.mean((z_q - jax.lax.stop_gradient(z)) ** 2))
    z_q_st = z + jax.lax.stop_gradient(z_q - z)
    return (z_q_st, vq_loss, indices.reshape(B, H * W))

if __name__ == "__main__":
    import jax
    _d = setup_inputs()
    print(jax.jit(kernel)(*tuple(_d.values())))

</pallas_src>

<mosaic_0001>
#map = affine_map<(d0, d1) -> (0, 0)>
#map1 = affine_map<(d0, d1) -> (0, 0, 0)>
module attributes {stable_mosaic.version = 14 : i64} {
  func.func @_sc_gather_body(%arg0: i32, %arg1: i32, %arg2: memref<512x64xf32, #tpu.memory_space<hbm>>, %arg3: memref<32x16x128xi32, #tpu.memory_space<hbm>>, %arg4: memref<32x2048x64xf32, #tpu.memory_space<hbm>>, %arg5: memref<16x128xi32, #tpu.memory_space<vmem>>, %arg6: memref<512x64xf32, #tpu.memory_space<vmem>>, %arg7: memref<512x64xf32, #tpu.memory_space<vmem>>, %arg8: memref<512x64xf32, #tpu.memory_space<vmem_shared>>, %arg9: memref<!tpu.dma_semaphore, #tpu.memory_space<semaphore_mem>>, %arg10: memref<!tpu.dma_semaphore, #tpu.memory_space<semaphore_mem>>, %arg11: memref<!tpu.dma_semaphore, #tpu.memory_space<semaphore_mem>>, %arg12: memref<!tpu.dma_semaphore, #tpu.memory_space<semaphore_mem>>) attributes {dimension_semantics = [#tpu.dimension_semantics<core_parallel>, #tpu.dimension_semantics<subcore_parallel>], iteration_bounds = array<i64: 2, 16>, scalar_prefetch = 0 : i64, scratch_operands = 8 : i64, tpu.core_type = #tpu.core_type<sc_vector_subcore>, window_params = [{transform_indices = #map}, {transform_indices = #map1}, {transform_indices = #map1}]} {
    %mul3A = arith.constant 2 : i32
    %mul3A_0 = arith.muli %arg1, %mul3A : i32
    %add3A = arith.addi %mul3A_0, %arg0 : i32
    %eq3A = arith.constant 0 : i32
    %eq3A_1 = arith.cmpi eq, %arg1, %eq3A : i32
    %convert_element_type3A = arith.extui %eq3A_1 : i1 to i32
    %cond3A = arith.constant 0 : i32
    %cond3A_2 = arith.cmpi ne, %convert_element_type3A, %cond3A : i32
    scf.if %cond3A_2 {
      "tpu.region"() ({
        %run_scoped3A = tpu.sem_alloc : memref<!tpu.dma_semaphore, #tpu.memory_space<semaphore_mem>>
        tpu.enqueue_dma source(%arg2 : memref<512x64xf32, #tpu.memory_space<hbm>>) target(%arg8 : memref<512x64xf32, #tpu.memory_space<vmem_shared>>) target_semaphore(%run_scoped3A : memref<!tpu.dma_semaphore, #tpu.memory_space<semaphore_mem>>)
        tpu.wait_dma2 semaphore(%run_scoped3A : memref<!tpu.dma_semaphore, #tpu.memory_space<semaphore_mem>>) src(%arg2 : memref<512x64xf32, #tpu.memory_space<hbm>>) dst(%arg8 : memref<512x64xf32, #tpu.memory_space<vmem_shared>>)
        tpu.yield
      }) : () -> ()
    } else {
    }
    "tpu.region"() ({
      %run_scoped3A = tpu.sem_alloc : memref<!tpu.dma_semaphore, #tpu.memory_space<semaphore_mem>>
      %dma_start3A_385 = arith.constant 0 : i32
      %dma_start3A_386 = arith.constant 0 : i32
      %dma_start3A_387 = tpu.memref_slice %arg3[%add3A, %dma_start3A_385, %dma_start3A_386] : memref<32x16x128xi32, #tpu.memory_space<hbm>> -> memref<1x16x128xi32, #tpu.memory_space<hbm>>
      %dma_start3A_388 = tpu.memref_squeeze %dma_start3A_387 : memref<1x16x128xi32, #tpu.memory_space<hbm>> -> memref<16x128xi32, #tpu.memory_space<hbm>>
      %dma_start3A_389 = arith.constant 0 : i32
      %dma_start3A_390 = arith.constant 0 : i32
      %dma_start3A_391 = tpu.memref_slice %arg3[%add3A, %dma_start3A_389, %dma_start3A_390] : memref<32x16x128xi32, #tpu.memory_space<hbm>> -> memref<1x16x128xi32, #tpu.memory_space<hbm>>
      %dma_start3A_392 = tpu.memref_squeeze %dma_start3A_391 : memref<1x16x128xi32, #tpu.memory_space<hbm>> -> memref<16x128xi32, #tpu.memory_space<hbm>>
      tpu.enqueue_dma source(%dma_start3A_392 : memref<16x128xi32, #tpu.memory_space<hbm>>) target(%arg5 : memref<16x128xi32, #tpu.memory_space<vmem>>) target_semaphore(%run_scoped3A : memref<!tpu.dma_semaphore, #tpu.memory_space<semaphore_mem>>)
      %dma_wait3A_393 = arith.constant 0 : i32
      %dma_wait3A_394 = arith.constant 0 : i32
      %dma_wait3A_395 = tpu.memref_slice %arg3[%add3A, %dma_wait3A_393, %dma_wait3A_394] : memref<32x16x128xi32, #tpu.memory_space<hbm>> -> memref<1x16x128xi32, #tpu.memory_space<hbm>>
      %dma_wait3A_396 = tpu.memref_squeeze %dma_wait3A_395 : memref<1x16x128xi32, #tpu.memory_space<hbm>> -> memref<16x128xi32, #tpu.memory_space<hbm>>
      %dma_wait3A_397 = arith.constant 0 : i32
      %dma_wait3A_398 = arith.constant 0 : i32
      %dma_wait3A_399 = tpu.memref_slice %arg3[%add3A, %dma_wait3A_397, %dma_wait3A_398] : memref<32x16x128xi32, #tpu.memory_space<hbm>> -> memref<1x16x128xi32, #tpu.memory_space<hbm>>
      %dma_wait3A_400 = tpu.memref_squeeze %dma_wait3A_399 : memref<1x16x128xi32, #tpu.memory_space<hbm>> -> memref<16x128xi32, #tpu.memory_space<hbm>>
      tpu.wait_dma2 semaphore(%run_scoped3A : memref<!tpu.dma_semaphore, #tpu.memory_space<semaphore_mem>>) src(%dma_wait3A_400 : memref<16x128xi32, #tpu.memory_space<hbm>>) dst(%arg5 : memref<16x128xi32, #tpu.memory_space<vmem>>)
      tpu.yield
    }) : () -> ()
    %barrier3A = arith.constant 0 : index
    tpu.barrier barrier_id(%barrier3A)
    %dma_start3A = arith.constant 0 : i32
    %dma_start3A_3 = arith.constant 0 : i32
    %dma_start3A_4 = arith.constant 0 : i32
    %dma_start3A_5 = tpu.memref_slice %arg6[%dma_start3A_3, %dma_start3A_4] : memref<512x64xf32, #tpu.memory_space<vmem>> -> memref<128x64xf32, #tpu.memory_space<vmem>>
    %dma_start3A_6 = arith.constant 0 : i32
    %dma_start3A_7 = tpu.memref_slice %arg5[%dma_start3A, %dma_start3A_6] : memref<16x128xi32, #tpu.memory_space<vmem>> -> memref<1x128xi32, #tpu.memory_space<vmem>>
    %dma_start3A_8 = tpu.memref_squeeze %dma_start3A_7 : memref<1x128xi32, #tpu.memory_space<vmem>> -> memref<128xi32, #tpu.memory_space<vmem>>
    %dma_start3A_9 = arith.constant 0 : i32
    %dma_start3A_10 = arith.constant 0 : i32
    %dma_start3A_11 = tpu.memref_slice %arg8[%dma_start3A_9, %dma_start3A_10] : memref<512x64xf32, #tpu.memory_space<vmem_shared>> -> memref<512x64xf32, #tpu.memory_space<vmem_shared>>
    tpu.enqueue_indirect_dma source(%dma_start3A_11 : memref<512x64xf32, #tpu.memory_space<vmem_shared>>) target(%dma_start3A_5 : memref<128x64xf32, #tpu.memory_space<vmem>>) offsets(%dma_start3A_8 : memref<128xi32, #tpu.memory_space<vmem>>) semaphore(%arg9 : memref<!tpu.dma_semaphore, #tpu.memory_space<semaphore_mem>>)
    %dma_start3A_12 = arith.constant 1 : i32
    %dma_start3A_13 = arith.constant 128 : i32
    %dma_start3A_14 = arith.constant 0 : i32
    %dma_start3A_15 = tpu.memref_slice %arg6[%dma_start3A_13, %dma_start3A_14] : memref<512x64xf32, #tpu.memory_space<vmem>> -> memref<128x64xf32, #tpu.memory_space<vmem>>
    %dma_start3A_16 = arith.constant 0 : i32
    %dma_start3A_17 = tpu.memref_slice %arg5[%dma_start3A_12, %dma_start3A_16] : memref<16x128xi32, #tpu.memory_space<vmem>> -> memref<1x128xi32, #tpu.memory_space<vmem>>
    %dma_start3A_18 = tpu.memref_squeeze %dma_start3A_17 : memref<1x128xi32, #tpu.memory_space<vmem>> -> memref<128xi32, #tpu.memory_space<vmem>>
    %dma_start3A_19 = arith.constant 0 : i32
    %dma_start3A_20 = arith.constant 0 : i32
    %dma_start3A_21 = tpu.memref_slice %arg8[%dma_start3A_19, %dma_start3A_20] : memref<512x64xf32, #tpu.memory_space<vmem_shared>> -> memref<512x64xf32, #tpu.memory_space<vmem_shared>>
    tpu.enqueue_indirect_dma source(%dma_start3A_21 : memref<512x64xf32, #tpu.memory_space<vmem_shared>>) target(%dma_start3A_15 : memref<128x64xf32, #tpu.memory_space<vmem>>) offsets(%dma_start3A_18 : memref<128xi32, #tpu.memory_space<vmem>>) semaphore(%arg9 : memref<!tpu.dma_semaphore, #tpu.memory_space<semaphore_mem>>)
    %dma_start3A_22 = arith.constant 2 : i32
    %dma_start3A_23 = arith.constant 256 : i32
    %dma_start3A_24 = arith.constant 0 : i32
    %dma_start3A_25 = tpu.memref_slice %arg6[%dma_start3A_23, %dma_start3A_24] : memref<512x64xf32, #tpu.memory_space<vmem>> -> memref<128x64xf32, #tpu.memory_space<vmem>>
    %dma_start3A_26 = arith.constant 0 : i32
    %dma_start3A_27 = tpu.memref_slice %arg5[%dma_start3A_22, %dma_start3A_26] : memref<16x128xi32, #tpu.memory_space<vmem>> -> memref<1x128xi32, #tpu.memory_space<vmem>>
    %dma_start3A_28 = tpu.memref_squeeze %dma_start3A_27 : memref<1x128xi32, #tpu.memory_space<vmem>> -> memref<128xi32, #tpu.memory_space<vmem>>
    %dma_start3A_29 = arith.constant 0 : i32
    %dma_start3A_30 = arith.constant 0 : i32
    %dma_start3A_31 = tpu.memref_slice %arg8[%dma_start3A_29, %dma_start3A_30] : memref<512x64xf32, #tpu.memory_space<vmem_shared>> -> memref<512x64xf32, #tpu.memory_space<vmem_shared>>
    tpu.enqueue_indirect_dma source(%dma_start3A_31 : memref<512x64xf32, #tpu.memory_space<vmem_shared>>) target(%dma_start3A_25 : memref<128x64xf32, #tpu.memory_space<vmem>>) offsets(%dma_start3A_28 : memref<128xi32, #tpu.memory_space<vmem>>) semaphore(%arg9 : memref<!tpu.dma_semaphore, #tpu.memory_space<semaphore_mem>>)
    %dma_start3A_32 = arith.constant 3 : i32
    %dma_start3A_33 = arith.constant 384 : i32
    %dma_start3A_34 = arith.constant 0 : i32
    %dma_start3A_35 = tpu.memref_slice %arg6[%dma_start3A_33, %dma_start3A_34] : memref<512x64xf32, #tpu.memory_space<vmem>> -> memref<128x64xf32, #tpu.memory_space<vmem>>
    %dma_start3A_36 = arith.constant 0 : i32
    %dma_start3A_37 = tpu.memref_slice %arg5[%dma_start3A_32, %dma_start3A_36] : memref<16x128xi32, #tpu.memory_space<vmem>> -> memref<1x128xi32, #tpu.memory_space<vmem>>
    %dma_start3A_38 = tpu.memref_squeeze %dma_start3A_37 : memref<1x128xi32, #tpu.memory_space<vmem>> -> memref<128xi32, #tpu.memory_space<vmem>>
    %dma_start3A_39 = arith.constant 0 : i32
    %dma_start3A_40 = arith.constant 0 : i32
    %dma_start3A_41 = tpu.memref_slice %arg8[%dma_start3A_39, %dma_start3A_40] : memref<512x64xf32, #tpu.memory_space<vmem_shared>> -> memref<512x64xf32, #tpu.memory_space<vmem_shared>>
    tpu.enqueue_indirect_dma source(%dma_start3A_41 : memref<512x64xf32, #tpu.memory_space<vmem_shared>>) target(%dma_start3A_35 : memref<128x64xf32, #tpu.memory_space<vmem>>) offsets(%dma_start3A_38 : memref<128xi32, #tpu.memory_space<vmem>>) semaphore(%arg9 : memref<!tpu.dma_semaphore, #tpu.memory_space<semaphore_mem>>)
    %dma_start3A_42 = arith.constant 4 : i32
    %dma_start3A_43 = arith.constant 0 : i32
    %dma_start3A_44 = arith.constant 0 : i32
    %dma_start3A_45 = tpu.memref_slice %arg7[%dma_start3A_43, %dma_start3A_44] : memref<512x64xf32, #tpu.memory_space<vmem>> -> memref<128x64xf32, #tpu.memory_space<vmem>>
    %dma_start3A_46 = arith.constant 0 : i32
    %dma_start3A_47 = tpu.memref_slice %arg5[%dma_start3A_42, %dma_start3A_46] : memref<16x128xi32, #tpu.memory_space<vmem>> -> memref<1x128xi32, #tpu.memory_space<vmem>>
    %dma_start3A_48 = tpu.memref_squeeze %dma_start3A_47 : memref<1x128xi32, #tpu.memory_space<vmem>> -> memref<128xi32, #tpu.memory_space<vmem>>
    %dma_start3A_49 = arith.constant 0 : i32
    %dma_start3A_50 = arith.constant 0 : i32
    %dma_start3A_51 = tpu.memref_slice %arg8[%dma_start3A_49, %dma_start3A_50] : memref<512x64xf32, #tpu.memory_space<vmem_shared>> -> memref<512x64xf32, #tpu.memory_space<vmem_shared>>
    tpu.enqueue_indirect_dma source(%dma_start3A_51 : memref<512x64xf32, #tpu.memory_space<vmem_shared>>) target(%dma_start3A_45 : memref<128x64xf32, #tpu.memory_space<vmem>>) offsets(%dma_start3A_48 : memref<128xi32, #tpu.memory_space<vmem>>) semaphore(%arg10 : memref<!tpu.dma_semaphore, #tpu.memory_space<semaphore_mem>>)
    %dma_start3A_52 = arith.constant 5 : i32
    %dma_start3A_53 = arith.constant 128 : i32
    %dma_start3A_54 = arith.constant 0 : i32
    %dma_start3A_55 = tpu.memref_slice %arg7[%dma_start3A_53, %dma_start3A_54] : memref<512x64xf32, #tpu.memory_space<vmem>> -> memref<128x64xf32, #tpu.memory_space<vmem>>
    %dma_start3A_56 = arith.constant 0 : i32
    %dma_start3A_57 = tpu.memref_slice %arg5[%dma_start3A_52, %dma_start3A_56] : memref<16x128xi32, #tpu.memory_space<vmem>> -> memref<1x128xi32, #tpu.memory_space<vmem>>
    %dma_start3A_58 = tpu.memref_squeeze %dma_start3A_57 : memref<1x128xi32, #tpu.memory_space<vmem>> -> memref<128xi32, #tpu.memory_space<vmem>>
    %dma_start3A_59 = arith.constant 0 : i32
    %dma_start3A_60 = arith.constant 0 : i32
    %dma_start3A_61 = tpu.memref_slice %arg8[%dma_start3A_59, %dma_start3A_60] : memref<512x64xf32, #tpu.memory_space<vmem_shared>> -> memref<512x64xf32, #tpu.memory_space<vmem_shared>>
    tpu.enqueue_indirect_dma source(%dma_start3A_61 : memref<512x64xf32, #tpu.memory_space<vmem_shared>>) target(%dma_start3A_55 : memref<128x64xf32, #tpu.memory_space<vmem>>) offsets(%dma_start3A_58 : memref<128xi32, #tpu.memory_space<vmem>>) semaphore(%arg10 : memref<!tpu.dma_semaphore, #tpu.memory_space<semaphore_mem>>)
    %dma_start3A_62 = arith.constant 6 : i32
    %dma_start3A_63 = arith.constant 256 : i32
    %dma_start3A_64 = arith.constant 0 : i32
    %dma_start3A_65 = tpu.memref_slice %arg7[%dma_start3A_63, %dma_start3A_64] : memref<512x64xf32, #tpu.memory_space<vmem>> -> memref<128x64xf32, #tpu.memory_space<vmem>>
    %dma_start3A_66 = arith.constant 0 : i32
    %dma_start3A_67 = tpu.memref_slice %arg5[%dma_start3A_62, %dma_start3A_66] : memref<16x128xi32, #tpu.memory_space<vmem>> -> memref<1x128xi32, #tpu.memory_space<vmem>>
    %dma_start3A_68 = tpu.memref_squeeze %dma_start3A_67 : memref<1x128xi32, #tpu.memory_space<vmem>> -> memref<128xi32, #tpu.memory_space<vmem>>
    %dma_start3A_69 = arith.constant 0 : i32
    %dma_start3A_70 = arith.constant 0 : i32
    %dma_start3A_71 = tpu.memref_slice %arg8[%dma_start3A_69, %dma_start3A_70] : memref<512x64xf32, #tpu.memory_space<vmem_shared>> -> memref<512x64xf32, #tpu.memory_space<vmem_shared>>
    tpu.enqueue_indirect_dma source(%dma_start3A_71 : memref<512x64xf32, #tpu.memory_space<vmem_shared>>) target(%dma_start3A_65 : memref<128x64xf32, #tpu.memory_space<vmem>>) offsets(%dma_start3A_68 : memref<128xi32, #tpu.memory_space<vmem>>) semaphore(%arg10 : memref<!tpu.dma_semaphore, #tpu.memory_space<semaphore_mem>>)
    %dma_start3A_72 = arith.constant 7 : i32
    %dma_start3A_73 = arith.constant 384 : i32
    %dma_start3A_74 = arith.constant 0 : i32
    %dma_start3A_75 = tpu.memref_slice %arg7[%dma_start3A_73, %dma_start3A_74] : memref<512x64xf32, #tpu.memory_space<vmem>> -> memref<128x64xf32, #tpu.memory_space<vmem>>
    %dma_start3A_76 = arith.constant 0 : i32
    %dma_start3A_77 = tpu.memref_slice %arg5[%dma_start3A_72, %dma_start3A_76] : memref<16x128xi32, #tpu.memory_space<vmem>> -> memref<1x128xi32, #tpu.memory_space<vmem>>
    %dma_start3A_78 = tpu.memref_squeeze %dma_start3A_77 : memref<1x128xi32, #tpu.memory_space<vmem>> -> memref<128xi32, #tpu.memory_space<vmem>>
    %dma_start3A_79 = arith.constant 0 : i32
    %dma_start3A_80 = arith.constant 0 : i32
    %dma_start3A_81 = tpu.memref_slice %arg8[%dma_start3A_79, %dma_start3A_80] : memref<512x64xf32, #tpu.memory_space<vmem_shared>> -> memref<512x64xf32, #tpu.memory_space<vmem_shared>>
    tpu.enqueue_indirect_dma source(%dma_start3A_81 : memref<512x64xf32, #tpu.memory_space<vmem_shared>>) target(%dma_start3A_75 : memref<128x64xf32, #tpu.memory_space<vmem>>) offsets(%dma_start3A_78 : memref<128xi32, #tpu.memory_space<vmem>>) semaphore(%arg10 : memref<!tpu.dma_semaphore, #tpu.memory_space<semaphore_mem>>)
    %dma_wait3A = arith.constant 0 : i32
    %dma_wait3A_82 = arith.constant 0 : i32
    %dma_wait3A_83 = arith.constant 0 : i32
    %dma_wait3A_84 = tpu.memref_slice %arg6[%dma_wait3A_82, %dma_wait3A_83] : memref<512x64xf32, #tpu.memory_space<vmem>> -> memref<128x64xf32, #tpu.memory_space<vmem>>
    %dma_wait3A_85 = arith.constant 0 : i32
    %dma_wait3A_86 = tpu.memref_slice %arg5[%dma_wait3A, %dma_wait3A_85] : memref<16x128xi32, #tpu.memory_space<vmem>> -> memref<1x128xi32, #tpu.memory_space<vmem>>
    %dma_wait3A_87 = tpu.memref_squeeze %dma_wait3A_86 : memref<1x128xi32, #tpu.memory_space<vmem>> -> memref<128xi32, #tpu.memory_space<vmem>>
    %dma_wait3A_88 = arith.constant 0 : i32
    %dma_wait3A_89 = arith.constant 0 : i32
    %dma_wait3A_90 = tpu.memref_slice %arg8[%dma_wait3A_88, %dma_wait3A_89] : memref<512x64xf32, #tpu.memory_space<vmem_shared>> -> memref<512x64xf32, #tpu.memory_space<vmem_shared>>
    tpu.wait_indirect_dma semaphore(%arg9 : memref<!tpu.dma_semaphore, #tpu.memory_space<semaphore_mem>>) src(%dma_wait3A_90 : memref<512x64xf32, #tpu.memory_space<vmem_shared>>) dst(%dma_wait3A_84 : memref<128x64xf32, #tpu.memory_space<vmem>>)
    %dma_wait3A_91 = arith.constant 1 : i32
    %dma_wait3A_92 = arith.constant 128 : i32
    %dma_wait3A_93 = arith.constant 0 : i32
    %dma_wait3A_94 = tpu.memref_slice %arg6[%dma_wait3A_92, %dma_wait3A_93] : memref<512x64xf32, #tpu.memory_space<vmem>> -> memref<128x64xf32, #tpu.memory_space<vmem>>
    %dma_wait3A_95 = arith.constant 0 : i32
    %dma_wait3A_96 = tpu.memref_slice %arg5[%dma_wait3A_91, %dma_wait3A_95] : memref<16x128xi32, #tpu.memory_space<vmem>> -> memref<1x128xi32, #tpu.memory_space<vmem>>
    %dma_wait3A_97 = tpu.memref_squeeze %dma_wait3A_96 : memref<1x128xi32, #tpu.memory_space<vmem>> -> memref<128xi32, #tpu.memory_space<vmem>>
    %dma_wait3A_98 = arith.constant 0 : i32
    %dma_wait3A_99 = arith.constant 0 : i32
    %dma_wait3A_100 = tpu.memref_slice %arg8[%dma_wait3A_98, %dma_wait3A_99] : memref<512x64xf32, #tpu.memory_space<vmem_shared>> -> memref<512x64xf32, #tpu.memory_space<vmem_shared>>
    tpu.wait_indirect_dma semaphore(%arg9 : memref<!tpu.dma_semaphore, #tpu.memory_space<semaphore_mem>>) src(%dma_wait3A_100 : memref<512x64xf32, #tpu.memory_space<vmem_shared>>) dst(%dma_wait3A_94 : memref<128x64xf32, #tpu.memory_space<vmem>>)
    %dma_wait3A_101 = arith.constant 2 : i32
    %dma_wait3A_102 = arith.constant 256 : i32
    %dma_wait3A_103 = arith.constant 0 : i32
    %dma_wait3A_104 = tpu.memref_slice %arg6[%dma_wait3A_102, %dma_wait3A_103] : memref<512x64xf32, #tpu.memory_space<vmem>> -> memref<128x64xf32, #tpu.memory_space<vmem>>
    %dma_wait3A_105 = arith.constant 0 : i32
    %dma_wait3A_106 = tpu.memref_slice %arg5[%dma_wait3A_101, %dma_wait3A_105] : memref<16x128xi32, #tpu.memory_space<vmem>> -> memref<1x128xi32, #tpu.memory_space<vmem>>
    %dma_wait3A_107 = tpu.memref_squeeze %dma_wait3A_106 : memref<1x128xi32, #tpu.memory_space<vmem>> -> memref<128xi32, #tpu.memory_space<vmem>>
    %dma_wait3A_108 = arith.constant 0 : i32
    %dma_wait3A_109 = arith.constant 0 : i32
    %dma_wait3A_110 = tpu.memref_slice %arg8[%dma_wait3A_108, %dma_wait3A_109] : memref<512x64xf32, #tpu.memory_space<vmem_shared>> -> memref<512x64xf32, #tpu.memory_space<vmem_shared>>
    tpu.wait_indirect_dma semaphore(%arg9 : memref<!tpu.dma_semaphore, #tpu.memory_space<semaphore_mem>>) src(%dma_wait3A_110 : memref<512x64xf32, #tpu.memory_space<vmem_shared>>) dst(%dma_wait3A_104 : memref<128x64xf32, #tpu.memory_space<vmem>>)
    %dma_wait3A_111 = arith.constant 3 : i32
    %dma_wait3A_112 = arith.constant 384 : i32
    %dma_wait3A_113 = arith.constant 0 : i32
    %dma_wait3A_114 = tpu.memref_slice %arg6[%dma_wait3A_112, %dma_wait3A_113] : memref<512x64xf32, #tpu.memory_space<vmem>> -> memref<128x64xf32, #tpu.memory_space<vmem>>
    %dma_wait3A_115 = arith.constant 0 : i32
    %dma_wait3A_116 = tpu.memref_slice %arg5[%dma_wait3A_111, %dma_wait3A_115] : memref<16x128xi32, #tpu.memory_space<vmem>> -> memref<1x128xi32, #tpu.memory_space<vmem>>
    %dma_wait3A_117 = tpu.memref_squeeze %dma_wait3A_116 : memref<1x128xi32, #tpu.memory_space<vmem>> -> memref<128xi32, #tpu.memory_space<vmem>>
    %dma_wait3A_118 = arith.constant 0 : i32
    %dma_wait3A_119 = arith.constant 0 : i32
    %dma_wait3A_120 = tpu.memref_slice %arg8[%dma_wait3A_118, %dma_wait3A_119] : memref<512x64xf32, #tpu.memory_space<vmem_shared>> -> memref<512x64xf32, #tpu.memory_space<vmem_shared>>
    tpu.wait_indirect_dma semaphore(%arg9 : memref<!tpu.dma_semaphore, #tpu.memory_space<semaphore_mem>>) src(%dma_wait3A_120 : memref<512x64xf32, #tpu.memory_space<vmem_shared>>) dst(%dma_wait3A_114 : memref<128x64xf32, #tpu.memory_space<vmem>>)
    %dma_start3A_121 = arith.constant 0 : i32
    %dma_start3A_122 = arith.constant 0 : i32
    %dma_start3A_123 = tpu.memref_slice %arg4[%add3A, %dma_start3A_121, %dma_start3A_122] : memref<32x2048x64xf32, #tpu.memory_space<hbm>> -> memref<1x512x64xf32, #tpu.memory_space<hbm>>
    %dma_start3A_124 = tpu.memref_squeeze %dma_start3A_123 : memref<1x512x64xf32, #tpu.memory_space<hbm>> -> memref<512x64xf32, #tpu.memory_space<hbm>>
    %dma_start3A_125 = arith.constant 0 : i32
    %dma_start3A_126 = arith.constant 0 : i32
    %dma_start3A_127 = tpu.memref_slice %arg4[%add3A, %dma_start3A_125, %dma_start3A_126] : memref<32x2048x64xf32, #tpu.memory_space<hbm>> -> memref<1x512x64xf32, #tpu.memory_space<hbm>>
    %dma_start3A_128 = tpu.memref_squeeze %dma_start3A_127 : memref<1x512x64xf32, #tpu.memory_space<hbm>> -> memref<512x64xf32, #tpu.memory_space<hbm>>
    tpu.enqueue_dma source(%arg6 : memref<512x64xf32, #tpu.memory_space<vmem>>) target(%dma_start3A_128 : memref<512x64xf32, #tpu.memory_space<hbm>>) target_semaphore(%arg11 : memref<!tpu.dma_semaphore, #tpu.memory_space<semaphore_mem>>)
    %dma_wait3A_129 = arith.constant 4 : i32
    %dma_wait3A_130 = arith.constant 0 : i32
    %dma_wait3A_131 = arith.constant 0 : i32
    %dma_wait3A_132 = tpu.memref_slice %arg7[%dma_wait3A_130, %dma_wait3A_131] : memref<512x64xf32, #tpu.memory_space<vmem>> -> memref<128x64xf32, #tpu.memory_space<vmem>>
    %dma_wait3A_133 = arith.constant 0 : i32
    %dma_wait3A_134 = tpu.memref_slice %arg5[%dma_wait3A_129, %dma_wait3A_133] : memref<16x128xi32, #tpu.memory_space<vmem>> -> memref<1x128xi32, #tpu.memory_space<vmem>>
    %dma_wait3A_135 = tpu.memref_squeeze %dma_wait3A_134 : memref<1x128xi32, #tpu.memory_space<vmem>> -> memref<128xi32, #tpu.memory_space<vmem>>
    %dma_wait3A_136 = arith.constant 0 : i32
    %dma_wait3A_137 = arith.constant 0 : i32
    %dma_wait3A_138 = tpu.memref_slice %arg8[%dma_wait3A_136, %dma_wait3A_137] : memref<512x64xf32, #tpu.memory_space<vmem_shared>> -> memref<512x64xf32, #tpu.memory_space<vmem_shared>>
    tpu.wait_indirect_dma semaphore(%arg10 : memref<!tpu.dma_semaphore, #tpu.memory_space<semaphore_mem>>) src(%dma_wait3A_138 : memref<512x64xf32, #tpu.memory_space<vmem_shared>>) dst(%dma_wait3A_132 : memref<128x64xf32, #tpu.memory_space<vmem>>)
    %dma_wait3A_139 = arith.constant 5 : i32
    %dma_wait3A_140 = arith.constant 128 : i32
    %dma_wait3A_141 = arith.constant 0 : i32
    %dma_wait3A_142 = tpu.memref_slice %arg7[%dma_wait3A_140, %dma_wait3A_141] : memref<512x64xf32, #tpu.memory_space<vmem>> -> memref<128x64xf32, #tpu.memory_space<vmem>>
    %dma_wait3A_143 = arith.constant 0 : i32
    %dma_wait3A_144 = tpu.memref_slice %arg5[%dma_wait3A_139, %dma_wait3A_143] : memref<16x128xi32, #tpu.memory_space<vmem>> -> memref<1x128xi32, #tpu.memory_space<vmem>>
    %dma_wait3A_145 = tpu.memref_squeeze %dma_wait3A_144 : memref<1x128xi32, #tpu.memory_space<vmem>> -> memref<128xi32, #tpu.memory_space<vmem>>
    %dma_wait3A_146 = arith.constant 0 : i32
    %dma_wait3A_147 = arith.constant 0 : i32
    %dma_wait3A_148 = tpu.memref_slice %arg8[%dma_wait3A_146, %dma_wait3A_147] : memref<512x64xf32, #tpu.memory_space<vmem_shared>> -> memref<512x64xf32, #tpu.memory_space<vmem_shared>>
    tpu.wait_indirect_dma semaphore(%arg10 : memref<!tpu.dma_semaphore, #tpu.memory_space<semaphore_mem>>) src(%dma_wait3A_148 : memref<512x64xf32, #tpu.memory_space<vmem_shared>>) dst(%dma_wait3A_142 : memref<128x64xf32, #tpu.memory_space<vmem>>)
    %dma_wait3A_149 = arith.constant 6 : i32
    %dma_wait3A_150 = arith.constant 256 : i32
    %dma_wait3A_151 = arith.constant 0 : i32
    %dma_wait3A_152 = tpu.memref_slice %arg7[%dma_wait3A_150, %dma_wait3A_151] : memref<512x64xf32, #tpu.memory_space<vmem>> -> memref<128x64xf32, #tpu.memory_space<vmem>>
    %dma_wait3A_153 = arith.constant 0 : i32
    %dma_wait3A_154 = tpu.memref_slice %arg5[%dma_wait3A_149, %dma_wait3A_153] : memref<16x128xi32, #tpu.memory_space<vmem>> -> memref<1x128xi32, #tpu.memory_space<vmem>>
    %dma_wait3A_155 = tpu.memref_squeeze %dma_wait3A_154 : memref<1x128xi32, #tpu.memory_space<vmem>> -> memref<128xi32, #tpu.memory_space<vmem>>
    %dma_wait3A_156 = arith.constant 0 : i32
    %dma_wait3A_157 = arith.constant 0 : i32
    %dma_wait3A_158 = tpu.memref_slice %arg8[%dma_wait3A_156, %dma_wait3A_157] : memref<512x64xf32, #tpu.memory_space<vmem_shared>> -> memref<512x64xf32, #tpu.memory_space<vmem_shared>>
    tpu.wait_indirect_dma semaphore(%arg10 : memref<!tpu.dma_semaphore, #tpu.memory_space<semaphore_mem>>) src(%dma_wait3A_158 : memref<512x64xf32, #tpu.memory_space<vmem_shared>>) dst(%dma_wait3A_152 : memref<128x64xf32, #tpu.memory_space<vmem>>)
    %dma_wait3A_159 = arith.constant 7 : i32
    %dma_wait3A_160 = arith.constant 384 : i32
    %dma_wait3A_161 = arith.constant 0 : i32
    %dma_wait3A_162 = tpu.memref_slice %arg7[%dma_wait3A_160, %dma_wait3A_161] : memref<512x64xf32, #tpu.memory_space<vmem>> -> memref<128x64xf32, #tpu.memory_space<vmem>>
    %dma_wait3A_163 = arith.constant 0 : i32
    %dma_wait3A_164 = tpu.memref_slice %arg5[%dma_wait3A_159, %dma_wait3A_163] : memref<16x128xi32, #tpu.memory_space<vmem>> -> memref<1x128xi32, #tpu.memory_space<vmem>>
    %dma_wait3A_165 = tpu.memref_squeeze %dma_wait3A_164 : memref<1x128xi32, #tpu.memory_space<vmem>> -> memref<128xi32, #tpu.memory_space<vmem>>
    %dma_wait3A_166 = arith.constant 0 : i32
    %dma_wait3A_167 = arith.constant 0 : i32
    %dma_wait3A_168 = tpu.memref_slice %arg8[%dma_wait3A_166, %dma_wait3A_167] : memref<512x64xf32, #tpu.memory_space<vmem_shared>> -> memref<512x64xf32, #tpu.memory_space<vmem_shared>>
    tpu.wait_indirect_dma semaphore(%arg10 : memref<!tpu.dma_semaphore, #tpu.memory_space<semaphore_mem>>) src(%dma_wait3A_168 : memref<512x64xf32, #tpu.memory_space<vmem_shared>>) dst(%dma_wait3A_162 : memref<128x64xf32, #tpu.memory_space<vmem>>)
    %dma_wait3A_169 = arith.constant 0 : i32
    %dma_wait3A_170 = arith.constant 0 : i32
    %dma_wait3A_171 = tpu.memref_slice %arg4[%add3A, %dma_wait3A_169, %dma_wait3A_170] : memref<32x2048x64xf32, #tpu.memory_space<hbm>> -> memref<1x512x64xf32, #tpu.memory_space<hbm>>
    %dma_wait3A_172 = tpu.memref_squeeze %dma_wait3A_171 : memref<1x512x64xf32, #tpu.memory_space<hbm>> -> memref<512x64xf32, #tpu.memory_space<hbm>>
    %dma_wait3A_173 = arith.constant 0 : i32
    %dma_wait3A_174 = arith.constant 0 : i32
    %dma_wait3A_175 = tpu.memref_slice %arg4[%add3A, %dma_wait3A_173, %dma_wait3A_174] : memref<32x2048x64xf32, #tpu.memory_space<hbm>> -> memref<1x512x64xf32, #tpu.memory_space<hbm>>
    %dma_wait3A_176 = tpu.memref_squeeze %dma_wait3A_175 : memref<1x512x64xf32, #tpu.memory_space<hbm>> -> memref<512x64xf32, #tpu.memory_space<hbm>>
    tpu.wait_dma2 semaphore(%arg11 : memref<!tpu.dma_semaphore, #tpu.memory_space<semaphore_mem>>) src(%arg6 : memref<512x64xf32, #tpu.memory_space<vmem>>) dst(%dma_wait3A_176 : memref<512x64xf32, #tpu.memory_space<hbm>>)
    %dma_start3A_177 = arith.constant 8 : i32
    %dma_start3A_178 = arith.constant 0 : i32
    %dma_start3A_179 = arith.constant 0 : i32
    %dma_start3A_180 = tpu.memref_slice %arg6[%dma_start3A_178, %dma_start3A_179] : memref<512x64xf32, #tpu.memory_space<vmem>> -> memref<128x64xf32, #tpu.memory_space<vmem>>
    %dma_start3A_181 = arith.constant 0 : i32
    %dma_start3A_182 = tpu.memref_slice %arg5[%dma_start3A_177, %dma_start3A_181] : memref<16x128xi32, #tpu.memory_space<vmem>> -> memref<1x128xi32, #tpu.memory_space<vmem>>
    %dma_start3A_183 = tpu.memref_squeeze %dma_start3A_182 : memref<1x128xi32, #tpu.memory_space<vmem>> -> memref<128xi32, #tpu.memory_space<vmem>>
    %dma_start3A_184 = arith.constant 0 : i32
    %dma_start3A_185 = arith.constant 0 : i32
    %dma_start3A_186 = tpu.memref_slice %arg8[%dma_start3A_184, %dma_start3A_185] : memref<512x64xf32, #tpu.memory_space<vmem_shared>> -> memref<512x64xf32, #tpu.memory_space<vmem_shared>>
    tpu.enqueue_indirect_dma source(%dma_start3A_186 : memref<512x64xf32, #tpu.memory_space<vmem_shared>>) target(%dma_start3A_180 : memref<128x64xf32, #tpu.memory_space<vmem>>) offsets(%dma_start3A_183 : memref<128xi32, #tpu.memory_space<vmem>>) semaphore(%arg9 : memref<!tpu.dma_semaphore, #tpu.memory_space<semaphore_mem>>)
    %dma_start3A_187 = arith.constant 9 : i32
    %dma_start3A_188 = arith.constant 128 : i32
    %dma_start3A_189 = arith.constant 0 : i32
    %dma_start3A_190 = tpu.memref_slice %arg6[%dma_start3A_188, %dma_start3A_189] : memref<512x64xf32, #tpu.memory_space<vmem>> -> memref<128x64xf32, #tpu.memory_space<vmem>>
    %dma_start3A_191 = arith.constant 0 : i32
    %dma_start3A_192 = tpu.memref_slice %arg5[%dma_start3A_187, %dma_start3A_191] : memref<16x128xi32, #tpu.memory_space<vmem>> -> memref<1x128xi32, #tpu.memory_space<vmem>>
    %dma_start3A_193 = tpu.memref_squeeze %dma_start3A_192 : memref<1x128xi32, #tpu.memory_space<vmem>> -> memref<128xi32, #tpu.memory_space<vmem>>
    %dma_start3A_194 = arith.constant 0 : i32
    %dma_start3A_195 = arith.constant 0 : i32
    %dma_start3A_196 = tpu.memref_slice %arg8[%dma_start3A_194, %dma_start3A_195] : memref<512x64xf32, #tpu.memory_space<vmem_shared>> -> memref<512x64xf32, #tpu.memory_space<vmem_shared>>
    tpu.enqueue_indirect_dma source(%dma_start3A_196 : memref<512x64xf32, #tpu.memory_space<vmem_shared>>) target(%dma_start3A_190 : memref<128x64xf32, #tpu.memory_space<vmem>>) offsets(%dma_start3A_193 : memref<128xi32, #tpu.memory_space<vmem>>) semaphore(%arg9 : memref<!tpu.dma_semaphore, #tpu.memory_space<semaphore_mem>>)
    %dma_start3A_197 = arith.constant 10 : i32
    %dma_start3A_198 = arith.constant 256 : i32
    %dma_start3A_199 = arith.constant 0 : i32
    %dma_start3A_200 = tpu.memref_slice %arg6[%dma_start3A_198, %dma_start3A_199] : memref<512x64xf32, #tpu.memory_space<vmem>> -> memref<128x64xf32, #tpu.memory_space<vmem>>
    %dma_start3A_201 = arith.constant 0 : i32
    %dma_start3A_202 = tpu.memref_slice %arg5[%dma_start3A_197, %dma_start3A_201] : memref<16x128xi32, #tpu.memory_space<vmem>> -> memref<1x128xi32, #tpu.memory_space<vmem>>
    %dma_start3A_203 = tpu.memref_squeeze %dma_start3A_202 : memref<1x128xi32, #tpu.memory_space<vmem>> -> memref<128xi32, #tpu.memory_space<vmem>>
    %dma_start3A_204 = arith.constant 0 : i32
    %dma_start3A_205 = arith.constant 0 : i32
    %dma_start3A_206 = tpu.memref_slice %arg8[%dma_start3A_204, %dma_start3A_205] : memref<512x64xf32, #tpu.memory_space<vmem_shared>> -> memref<512x64xf32, #tpu.memory_space<vmem_shared>>
    tpu.enqueue_indirect_dma source(%dma_start3A_206 : memref<512x64xf32, #tpu.memory_space<vmem_shared>>) target(%dma_start3A_200 : memref<128x64xf32, #tpu.memory_space<vmem>>) offsets(%dma_start3A_203 : memref<128xi32, #tpu.memory_space<vmem>>) semaphore(%arg9 : memref<!tpu.dma_semaphore, #tpu.memory_space<semaphore_mem>>)
    %dma_start3A_207 = arith.constant 11 : i32
    %dma_start3A_208 = arith.constant 384 : i32
    %dma_start3A_209 = arith.constant 0 : i32
    %dma_start3A_210 = tpu.memref_slice %arg6[%dma_start3A_208, %dma_start3A_209] : memref<512x64xf32, #tpu.memory_space<vmem>> -> memref<128x64xf32, #tpu.memory_space<vmem>>
    %dma_start3A_211 = arith.constant 0 : i32
    %dma_start3A_212 = tpu.memref_slice %arg5[%dma_start3A_207, %dma_start3A_211] : memref<16x128xi32, #tpu.memory_space<vmem>> -> memref<1x128xi32, #tpu.memory_space<vmem>>
    %dma_start3A_213 = tpu.memref_squeeze %dma_start3A_212 : memref<1x128xi32, #tpu.memory_space<vmem>> -> memref<128xi32, #tpu.memory_space<vmem>>
    %dma_start3A_214 = arith.constant 0 : i32
    %dma_start3A_215 = arith.constant 0 : i32
    %dma_start3A_216 = tpu.memref_slice %arg8[%dma_start3A_214, %dma_start3A_215] : memref<512x64xf32, #tpu.memory_space<vmem_shared>> -> memref<512x64xf32, #tpu.memory_space<vmem_shared>>
    tpu.enqueue_indirect_dma source(%dma_start3A_216 : memref<512x64xf32, #tpu.memory_space<vmem_shared>>) target(%dma_start3A_210 : memref<128x64xf32, #tpu.memory_space<vmem>>) offsets(%dma_start3A_213 : memref<128xi32, #tpu.memory_space<vmem>>) semaphore(%arg9 : memref<!tpu.dma_semaphore, #tpu.memory_space<semaphore_mem>>)
    %dma_start3A_217 = arith.constant 512 : i32
    %dma_start3A_218 = arith.constant 0 : i32
    %dma_start3A_219 = tpu.memref_slice %arg4[%add3A, %dma_start3A_217, %dma_start3A_218] : memref<32x2048x64xf32, #tpu.memory_space<hbm>> -> memref<1x512x64xf32, #tpu.memory_space<hbm>>
    %dma_start3A_220 = tpu.memref_squeeze %dma_start3A_219 : memref<1x512x64xf32, #tpu.memory_space<hbm>> -> memref<512x64xf32, #tpu.memory_space<hbm>>
    %dma_start3A_221 = arith.constant 512 : i32
    %dma_start3A_222 = arith.constant 0 : i32
    %dma_start3A_223 = tpu.memref_slice %arg4[%add3A, %dma_start3A_221, %dma_start3A_222] : memref<32x2048x64xf32, #tpu.memory_space<hbm>> -> memref<1x512x64xf32, #tpu.memory_space<hbm>>
    %dma_start3A_224 = tpu.memref_squeeze %dma_start3A_223 : memref<1x512x64xf32, #tpu.memory_space<hbm>> -> memref<512x64xf32, #tpu.memory_space<hbm>>
    tpu.enqueue_dma source(%arg7 : memref<512x64xf32, #tpu.memory_space<vmem>>) target(%dma_start3A_224 : memref<512x64xf32, #tpu.memory_space<hbm>>) target_semaphore(%arg12 : memref<!tpu.dma_semaphore, #tpu.memory_space<semaphore_mem>>)
    %dma_wait3A_225 = arith.constant 8 : i32
    %dma_wait3A_226 = arith.constant 0 : i32
    %dma_wait3A_227 = arith.constant 0 : i32
    %dma_wait3A_228 = tpu.memref_slice %arg6[%dma_wait3A_226, %dma_wait3A_227] : memref<512x64xf32, #tpu.memory_space<vmem>> -> memref<128x64xf32, #tpu.memory_space<vmem>>
    %dma_wait3A_229 = arith.constant 0 : i32
    %dma_wait3A_230 = tpu.memref_slice %arg5[%dma_wait3A_225, %dma_wait3A_229] : memref<16x128xi32, #tpu.memory_space<vmem>> -> memref<1x128xi32, #tpu.memory_space<vmem>>
    %dma_wait3A_231 = tpu.memref_squeeze %dma_wait3A_230 : memref<1x128xi32, #tpu.memory_space<vmem>> -> memref<128xi32, #tpu.memory_space<vmem>>
    %dma_wait3A_232 = arith.constant 0 : i32
    %dma_wait3A_233 = arith.constant 0 : i32
    %dma_wait3A_234 = tpu.memref_slice %arg8[%dma_wait3A_232, %dma_wait3A_233] : memref<512x64xf32, #tpu.memory_space<vmem_shared>> -> memref<512x64xf32, #tpu.memory_space<vmem_shared>>
    tpu.wait_indirect_dma semaphore(%arg9 : memref<!tpu.dma_semaphore, #tpu.memory_space<semaphore_mem>>) src(%dma_wait3A_234 : memref<512x64xf32, #tpu.memory_space<vmem_shared>>) dst(%dma_wait3A_228 : memref<128x64xf32, #tpu.memory_space<vmem>>)
    %dma_wait3A_235 = arith.constant 9 : i32
    %dma_wait3A_236 = arith.constant 128 : i32
    %dma_wait3A_237 = arith.constant 0 : i32
    %dma_wait3A_238 = tpu.memref_slice %arg6[%dma_wait3A_236, %dma_wait3A_237] : memref<512x64xf32, #tpu.memory_space<vmem>> -> memref<128x64xf32, #tpu.memory_space<vmem>>
    %dma_wait3A_239 = arith.constant 0 : i32
    %dma_wait3A_240 = tpu.memref_slice %arg5[%dma_wait3A_235, %dma_wait3A_239] : memref<16x128xi32, #tpu.memory_space<vmem>> -> memref<1x128xi32, #tpu.memory_space<vmem>>
    %dma_wait3A_241 = tpu.memref_squeeze %dma_wait3A_240 : memref<1x128xi32, #tpu.memory_space<vmem>> -> memref<128xi32, #tpu.memory_space<vmem>>
    %dma_wait3A_242 = arith.constant 0 : i32
    %dma_wait3A_243 = arith.constant 0 : i32
    %dma_wait3A_244 = tpu.memref_slice %arg8[%dma_wait3A_242, %dma_wait3A_243] : memref<512x64xf32, #tpu.memory_space<vmem_shared>> -> memref<512x64xf32, #tpu.memory_space<vmem_shared>>
    tpu.wait_indirect_dma semaphore(%arg9 : memref<!tpu.dma_semaphore, #tpu.memory_space<semaphore_mem>>) src(%dma_wait3A_244 : memref<512x64xf32, #tpu.memory_space<vmem_shared>>) dst(%dma_wait3A_238 : memref<128x64xf32, #tpu.memory_space<vmem>>)
    %dma_wait3A_245 = arith.constant 10 : i32
    %dma_wait3A_246 = arith.constant 256 : i32
    %dma_wait3A_247 = arith.constant 0 : i32
    %dma_wait3A_248 = tpu.memref_slice %arg6[%dma_wait3A_246, %dma_wait3A_247] : memref<512x64xf32, #tpu.memory_space<vmem>> -> memref<128x64xf32, #tpu.memory_space<vmem>>
    %dma_wait3A_249 = arith.constant 0 : i32
    %dma_wait3A_250 = tpu.memref_slice %arg5[%dma_wait3A_245, %dma_wait3A_249] : memref<16x128xi32, #tpu.memory_space<vmem>> -> memref<1x128xi32, #tpu.memory_space<vmem>>
    %dma_wait3A_251 = tpu.memref_squeeze %dma_wait3A_250 : memref<1x128xi32, #tpu.memory_space<vmem>> -> memref<128xi32, #tpu.memory_space<vmem>>
    %dma_wait3A_252 = arith.constant 0 : i32
    %dma_wait3A_253 = arith.constant 0 : i32
    %dma_wait3A_254 = tpu.memref_slice %arg8[%dma_wait3A_252, %dma_wait3A_253] : memref<512x64xf32, #tpu.memory_space<vmem_shared>> -> memref<512x64xf32, #tpu.memory_space<vmem_shared>>
    tpu.wait_indirect_dma semaphore(%arg9 : memref<!tpu.dma_semaphore, #tpu.memory_space<semaphore_mem>>) src(%dma_wait3A_254 : memref<512x64xf32, #tpu.memory_space<vmem_shared>>) dst(%dma_wait3A_248 : memref<128x64xf32, #tpu.memory_space<vmem>>)
    %dma_wait3A_255 = arith.constant 11 : i32
    %dma_wait3A_256 = arith.constant 384 : i32
    %dma_wait3A_257 = arith.constant 0 : i32
    %dma_wait3A_258 = tpu.memref_slice %arg6[%dma_wait3A_256, %dma_wait3A_257] : memref<512x64xf32, #tpu.memory_space<vmem>> -> memref<128x64xf32, #tpu.memory_space<vmem>>
    %dma_wait3A_259 = arith.constant 0 : i32
    %dma_wait3A_260 = tpu.memref_slice %arg5[%dma_wait3A_255, %dma_wait3A_259] : memref<16x128xi32, #tpu.memory_space<vmem>> -> memref<1x128xi32, #tpu.memory_space<vmem>>
    %dma_wait3A_261 = tpu.memref_squeeze %dma_wait3A_260 : memref<1x128xi32, #tpu.memory_space<vmem>> -> memref<128xi32, #tpu.memory_space<vmem>>
    %dma_wait3A_262 = arith.constant 0 : i32
    %dma_wait3A_263 = arith.constant 0 : i32
    %dma_wait3A_264 = tpu.memref_slice %arg8[%dma_wait3A_262, %dma_wait3A_263] : memref<512x64xf32, #tpu.memory_space<vmem_shared>> -> memref<512x64xf32, #tpu.memory_space<vmem_shared>>
    tpu.wait_indirect_dma semaphore(%arg9 : memref<!tpu.dma_semaphore, #tpu.memory_space<semaphore_mem>>) src(%dma_wait3A_264 : memref<512x64xf32, #tpu.memory_space<vmem_shared>>) dst(%dma_wait3A_258 : memref<128x64xf32, #tpu.memory_space<vmem>>)
    %dma_wait3A_265 = arith.constant 512 : i32
    %dma_wait3A_266 = arith.constant 0 : i32
    %dma_wait3A_267 = tpu.memref_slice %arg4[%add3A, %dma_wait3A_265, %dma_wait3A_266] : memref<32x2048x64xf32, #tpu.memory_space<hbm>> -> memref<1x512x64xf32, #tpu.memory_space<hbm>>
    %dma_wait3A_268 = tpu.memref_squeeze %dma_wait3A_267 : memref<1x512x64xf32, #tpu.memory_space<hbm>> -> memref<512x64xf32, #tpu.memory_space<hbm>>
    %dma_wait3A_269 = arith.constant 512 : i32
    %dma_wait3A_270 = arith.constant 0 : i32
    %dma_wait3A_271 = tpu.memref_slice %arg4[%add3A, %dma_wait3A_269, %dma_wait3A_270] : memref<32x2048x64xf32, #tpu.memory_space<hbm>> -> memref<1x512x64xf32, #tpu.memory_space<hbm>>
    %dma_wait3A_272 = tpu.memref_squeeze %dma_wait3A_271 : memref<1x512x64xf32, #tpu.memory_space<hbm>> -> memref<512x64xf32, #tpu.memory_space<hbm>>
    tpu.wait_dma2 semaphore(%arg12 : memref<!tpu.dma_semaphore, #tpu.memory_space<semaphore_mem>>) src(%arg7 : memref<512x64xf32, #tpu.memory_space<vmem>>) dst(%dma_wait3A_272 : memref<512x64xf32, #tpu.memory_space<hbm>>)
    %dma_start3A_273 = arith.constant 12 : i32
    %dma_start3A_274 = arith.constant 0 : i32
    %dma_start3A_275 = arith.constant 0 : i32
    %dma_start3A_276 = tpu.memref_slice %arg7[%dma_start3A_274, %dma_start3A_275] : memref<512x64xf32, #tpu.memory_space<vmem>> -> memref<128x64xf32, #tpu.memory_space<vmem>>
    %dma_start3A_277 = arith.constant 0 : i32
    %dma_start3A_278 = tpu.memref_slice %arg5[%dma_start3A_273, %dma_start3A_277] : memref<16x128xi32, #tpu.memory_space<vmem>> -> memref<1x128xi32, #tpu.memory_space<vmem>>
    %dma_start3A_279 = tpu.memref_squeeze %dma_start3A_278 : memref<1x128xi32, #tpu.memory_space<vmem>> -> memref<128xi32, #tpu.memory_space<vmem>>
    %dma_start3A_280 = arith.constant 0 : i32
    %dma_start3A_281 = arith.constant 0 : i32
    %dma_start3A_282 = tpu.memref_slice %arg8[%dma_start3A_280, %dma_start3A_281] : memref<512x64xf32, #tpu.memory_space<vmem_shared>> -> memref<512x64xf32, #tpu.memory_space<vmem_shared>>
    tpu.enqueue_indirect_dma source(%dma_start3A_282 : memref<512x64xf32, #tpu.memory_space<vmem_shared>>) target(%dma_start3A_276 : memref<128x64xf32, #tpu.memory_space<vmem>>) offsets(%dma_start3A_279 : memref<128xi32, #tpu.memory_space<vmem>>) semaphore(%arg10 : memref<!tpu.dma_semaphore, #tpu.memory_space<semaphore_mem>>)
    %dma_start3A_283 = arith.constant 13 : i32
    %dma_start3A_284 = arith.constant 128 : i32
    %dma_start3A_285 = arith.constant 0 : i32
    %dma_start3A_286 = tpu.memref_slice %arg7[%dma_start3A_284, %dma_start3A_285] : memref<512x64xf32, #tpu.memory_space<vmem>> -> memref<128x64xf32, #tpu.memory_space<vmem>>
    %dma_start3A_287 = arith.constant 0 : i32
    %dma_start3A_288 = tpu.memref_slice %arg5[%dma_start3A_283, %dma_start3A_287] : memref<16x128xi32, #tpu.memory_space<vmem>> -> memref<1x128xi32, #tpu.memory_space<vmem>>
    %dma_start3A_289 = tpu.memref_squeeze %dma_start3A_288 : memref<1x128xi32, #tpu.memory_space<vmem>> -> memref<128xi32, #tpu.memory_space<vmem>>
    %dma_start3A_290 = arith.constant 0 : i32
    %dma_start3A_291 = arith.constant 0 : i32
    %dma_start3A_292 = tpu.memref_slice %arg8[%dma_start3A_290, %dma_start3A_291] : memref<512x64xf32, #tpu.memory_space<vmem_shared>> -> memref<512x64xf32, #tpu.memory_space<vmem_shared>>
    tpu.enqueue_indirect_dma source(%dma_start3A_292 : memref<512x64xf32, #tpu.memory_space<vmem_shared>>) target(%dma_start3A_286 : memref<128x64xf32, #tpu.memory_space<vmem>>) offsets(%dma_start3A_289 : memref<128xi32, #tpu.memory_space<vmem>>) semaphore(%arg10 : memref<!tpu.dma_semaphore, #tpu.memory_space<semaphore_mem>>)
    %dma_start3A_293 = arith.constant 14 : i32
    %dma_start3A_294 = arith.constant 256 : i32
    %dma_start3A_295 = arith.constant 0 : i32
    %dma_start3A_296 = tpu.memref_slice %arg7[%dma_start3A_294, %dma_start3A_295] : memref<512x64xf32, #tpu.memory_space<vmem>> -> memref<128x64xf32, #tpu.memory_space<vmem>>
    %dma_start3A_297 = arith.constant 0 : i32
    %dma_start3A_298 = tpu.memref_slice %arg5[%dma_start3A_293, %dma_start3A_297] : memref<16x128xi32, #tpu.memory_space<vmem>> -> memref<1x128xi32, #tpu.memory_space<vmem>>
    %dma_start3A_299 = tpu.memref_squeeze %dma_start3A_298 : memref<1x128xi32, #tpu.memory_space<vmem>> -> memref<128xi32, #tpu.memory_space<vmem>>
    %dma_start3A_300 = arith.constant 0 : i32
    %dma_start3A_301 = arith.constant 0 : i32
    %dma_start3A_302 = tpu.memref_slice %arg8[%dma_start3A_300, %dma_start3A_301] : memref<512x64xf32, #tpu.memory_space<vmem_shared>> -> memref<512x64xf32, #tpu.memory_space<vmem_shared>>
    tpu.enqueue_indirect_dma source(%dma_start3A_302 : memref<512x64xf32, #tpu.memory_space<vmem_shared>>) target(%dma_start3A_296 : memref<128x64xf32, #tpu.memory_space<vmem>>) offsets(%dma_start3A_299 : memref<128xi32, #tpu.memory_space<vmem>>) semaphore(%arg10 : memref<!tpu.dma_semaphore, #tpu.memory_space<semaphore_mem>>)
    %dma_start3A_303 = arith.constant 15 : i32
    %dma_start3A_304 = arith.constant 384 : i32
    %dma_start3A_305 = arith.constant 0 : i32
    %dma_start3A_306 = tpu.memref_slice %arg7[%dma_start3A_304, %dma_start3A_305] : memref<512x64xf32, #tpu.memory_space<vmem>> -> memref<128x64xf32, #tpu.memory_space<vmem>>
    %dma_start3A_307 = arith.constant 0 : i32
    %dma_start3A_308 = tpu.memref_slice %arg5[%dma_start3A_303, %dma_start3A_307] : memref<16x128xi32, #tpu.memory_space<vmem>> -> memref<1x128xi32, #tpu.memory_space<vmem>>
    %dma_start3A_309 = tpu.memref_squeeze %dma_start3A_308 : memref<1x128xi32, #tpu.memory_space<vmem>> -> memref<128xi32, #tpu.memory_space<vmem>>
    %dma_start3A_310 = arith.constant 0 : i32
    %dma_start3A_311 = arith.constant 0 : i32
    %dma_start3A_312 = tpu.memref_slice %arg8[%dma_start3A_310, %dma_start3A_311] : memref<512x64xf32, #tpu.memory_space<vmem_shared>> -> memref<512x64xf32, #tpu.memory_space<vmem_shared>>
    tpu.enqueue_indirect_dma source(%dma_start3A_312 : memref<512x64xf32, #tpu.memory_space<vmem_shared>>) target(%dma_start3A_306 : memref<128x64xf32, #tpu.memory_space<vmem>>) offsets(%dma_start3A_309 : memref<128xi32, #tpu.memory_space<vmem>>) semaphore(%arg10 : memref<!tpu.dma_semaphore, #tpu.memory_space<semaphore_mem>>)
    %dma_start3A_313 = arith.constant 1024 : i32
    %dma_start3A_314 = arith.constant 0 : i32
    %dma_start3A_315 = tpu.memref_slice %arg4[%add3A, %dma_start3A_313, %dma_start3A_314] : memref<32x2048x64xf32, #tpu.memory_space<hbm>> -> memref<1x512x64xf32, #tpu.memory_space<hbm>>
    %dma_start3A_316 = tpu.memref_squeeze %dma_start3A_315 : memref<1x512x64xf32, #tpu.memory_space<hbm>> -> memref<512x64xf32, #tpu.memory_space<hbm>>
    %dma_start3A_317 = arith.constant 1024 : i32
    %dma_start3A_318 = arith.constant 0 : i32
    %dma_start3A_319 = tpu.memref_slice %arg4[%add3A, %dma_start3A_317, %dma_start3A_318] : memref<32x2048x64xf32, #tpu.memory_space<hbm>> -> memref<1x512x64xf32, #tpu.memory_space<hbm>>
    %dma_start3A_320 = tpu.memref_squeeze %dma_start3A_319 : memref<1x512x64xf32, #tpu.memory_space<hbm>> -> memref<512x64xf32, #tpu.memory_space<hbm>>
    tpu.enqueue_dma source(%arg6 : memref<512x64xf32, #tpu.memory_space<vmem>>) target(%dma_start3A_320 : memref<512x64xf32, #tpu.memory_space<hbm>>) target_semaphore(%arg11 : memref<!tpu.dma_semaphore, #tpu.memory_space<semaphore_mem>>)
    %dma_wait3A_321 = arith.constant 12 : i32
    %dma_wait3A_322 = arith.constant 0 : i32
    %dma_wait3A_323 = arith.constant 0 : i32
    %dma_wait3A_324 = tpu.memref_slice %arg7[%dma_wait3A_322, %dma_wait3A_323] : memref<512x64xf32, #tpu.memory_space<vmem>> -> memref<128x64xf32, #tpu.memory_space<vmem>>
    %dma_wait3A_325 = arith.constant 0 : i32
    %dma_wait3A_326 = tpu.memref_slice %arg5[%dma_wait3A_321, %dma_wait3A_325] : memref<16x128xi32, #tpu.memory_space<vmem>> -> memref<1x128xi32, #tpu.memory_space<vmem>>
    %dma_wait3A_327 = tpu.memref_squeeze %dma_wait3A_326 : memref<1x128xi32, #tpu.memory_space<vmem>> -> memref<128xi32, #tpu.memory_space<vmem>>
    %dma_wait3A_328 = arith.constant 0 : i32
    %dma_wait3A_329 = arith.constant 0 : i32
    %dma_wait3A_330 = tpu.memref_slice %arg8[%dma_wait3A_328, %dma_wait3A_329] : memref<512x64xf32, #tpu.memory_space<vmem_shared>> -> memref<512x64xf32, #tpu.memory_space<vmem_shared>>
    tpu.wait_indirect_dma semaphore(%arg10 : memref<!tpu.dma_semaphore, #tpu.memory_space<semaphore_mem>>) src(%dma_wait3A_330 : memref<512x64xf32, #tpu.memory_space<vmem_shared>>) dst(%dma_wait3A_324 : memref<128x64xf32, #tpu.memory_space<vmem>>)
    %dma_wait3A_331 = arith.constant 13 : i32
    %dma_wait3A_332 = arith.constant 128 : i32
    %dma_wait3A_333 = arith.constant 0 : i32
    %dma_wait3A_334 = tpu.memref_slice %arg7[%dma_wait3A_332, %dma_wait3A_333] : memref<512x64xf32, #tpu.memory_space<vmem>> -> memref<128x64xf32, #tpu.memory_space<vmem>>
    %dma_wait3A_335 = arith.constant 0 : i32
    %dma_wait3A_336 = tpu.memref_slice %arg5[%dma_wait3A_331, %dma_wait3A_335] : memref<16x128xi32, #tpu.memory_space<vmem>> -> memref<1x128xi32, #tpu.memory_space<vmem>>
    %dma_wait3A_337 = tpu.memref_squeeze %dma_wait3A_336 : memref<1x128xi32, #tpu.memory_space<vmem>> -> memref<128xi32, #tpu.memory_space<vmem>>
    %dma_wait3A_338 = arith.constant 0 : i32
    %dma_wait3A_339 = arith.constant 0 : i32
    %dma_wait3A_340 = tpu.memref_slice %arg8[%dma_wait3A_338, %dma_wait3A_339] : memref<512x64xf32, #tpu.memory_space<vmem_shared>> -> memref<512x64xf32, #tpu.memory_space<vmem_shared>>
    tpu.wait_indirect_dma semaphore(%arg10 : memref<!tpu.dma_semaphore, #tpu.memory_space<semaphore_mem>>) src(%dma_wait3A_340 : memref<512x64xf32, #tpu.memory_space<vmem_shared>>) dst(%dma_wait3A_334 : memref<128x64xf32, #tpu.memory_space<vmem>>)
    %dma_wait3A_341 = arith.constant 14 : i32
    %dma_wait3A_342 = arith.constant 256 : i32
    %dma_wait3A_343 = arith.constant 0 : i32
    %dma_wait3A_344 = tpu.memref_slice %arg7[%dma_wait3A_342, %dma_wait3A_343] : memref<512x64xf32, #tpu.memory_space<vmem>> -> memref<128x64xf32, #tpu.memory_space<vmem>>
    %dma_wait3A_345 = arith.constant 0 : i32
    %dma_wait3A_346 = tpu.memref_slice %arg5[%dma_wait3A_341, %dma_wait3A_345] : memref<16x128xi32, #tpu.memory_space<vmem>> -> memref<1x128xi32, #tpu.memory_space<vmem>>
    %dma_wait3A_347 = tpu.memref_squeeze %dma_wait3A_346 : memref<1x128xi32, #tpu.memory_space<vmem>> -> memref<128xi32, #tpu.memory_space<vmem>>
    %dma_wait3A_348 = arith.constant 0 : i32
    %dma_wait3A_349 = arith.constant 0 : i32
    %dma_wait3A_350 = tpu.memref_slice %arg8[%dma_wait3A_348, %dma_wait3A_349] : memref<512x64xf32, #tpu.memory_space<vmem_shared>> -> memref<512x64xf32, #tpu.memory_space<vmem_shared>>
    tpu.wait_indirect_dma semaphore(%arg10 : memref<!tpu.dma_semaphore, #tpu.memory_space<semaphore_mem>>) src(%dma_wait3A_350 : memref<512x64xf32, #tpu.memory_space<vmem_shared>>) dst(%dma_wait3A_344 : memref<128x64xf32, #tpu.memory_space<vmem>>)
    %dma_wait3A_351 = arith.constant 15 : i32
    %dma_wait3A_352 = arith.constant 384 : i32
    %dma_wait3A_353 = arith.constant 0 : i32
    %dma_wait3A_354 = tpu.memref_slice %arg7[%dma_wait3A_352, %dma_wait3A_353] : memref<512x64xf32, #tpu.memory_space<vmem>> -> memref<128x64xf32, #tpu.memory_space<vmem>>
    %dma_wait3A_355 = arith.constant 0 : i32
    %dma_wait3A_356 = tpu.memref_slice %arg5[%dma_wait3A_351, %dma_wait3A_355] : memref<16x128xi32, #tpu.memory_space<vmem>> -> memref<1x128xi32, #tpu.memory_space<vmem>>
    %dma_wait3A_357 = tpu.memref_squeeze %dma_wait3A_356 : memref<1x128xi32, #tpu.memory_space<vmem>> -> memref<128xi32, #tpu.memory_space<vmem>>
    %dma_wait3A_358 = arith.constant 0 : i32
    %dma_wait3A_359 = arith.constant 0 : i32
    %dma_wait3A_360 = tpu.memref_slice %arg8[%dma_wait3A_358, %dma_wait3A_359] : memref<512x64xf32, #tpu.memory_space<vmem_shared>> -> memref<512x64xf32, #tpu.memory_space<vmem_shared>>
    tpu.wait_indirect_dma semaphore(%arg10 : memref<!tpu.dma_semaphore, #tpu.memory_space<semaphore_mem>>) src(%dma_wait3A_360 : memref<512x64xf32, #tpu.memory_space<vmem_shared>>) dst(%dma_wait3A_354 : memref<128x64xf32, #tpu.memory_space<vmem>>)
    %dma_start3A_361 = arith.constant 1536 : i32
    %dma_start3A_362 = arith.constant 0 : i32
    %dma_start3A_363 = tpu.memref_slice %arg4[%add3A, %dma_start3A_361, %dma_start3A_362] : memref<32x2048x64xf32, #tpu.memory_space<hbm>> -> memref<1x512x64xf32, #tpu.memory_space<hbm>>
    %dma_start3A_364 = tpu.memref_squeeze %dma_start3A_363 : memref<1x512x64xf32, #tpu.memory_space<hbm>> -> memref<512x64xf32, #tpu.memory_space<hbm>>
    %dma_start3A_365 = arith.constant 1536 : i32
    %dma_start3A_366 = arith.constant 0 : i32
    %dma_start3A_367 = tpu.memref_slice %arg4[%add3A, %dma_start3A_365, %dma_start3A_366] : memref<32x2048x64xf32, #tpu.memory_space<hbm>> -> memref<1x512x64xf32, #tpu.memory_space<hbm>>
    %dma_start3A_368 = tpu.memref_squeeze %dma_start3A_367 : memref<1x512x64xf32, #tpu.memory_space<hbm>> -> memref<512x64xf32, #tpu.memory_space<hbm>>
    tpu.enqueue_dma source(%arg7 : memref<512x64xf32, #tpu.memory_space<vmem>>) target(%dma_start3A_368 : memref<512x64xf32, #tpu.memory_space<hbm>>) target_semaphore(%arg12 : memref<!tpu.dma_semaphore, #tpu.memory_space<semaphore_mem>>)
    %dma_wait3A_369 = arith.constant 1024 : i32
    %dma_wait3A_370 = arith.constant 0 : i32
    %dma_wait3A_371 = tpu.memref_slice %arg4[%add3A, %dma_wait3A_369, %dma_wait3A_370] : memref<32x2048x64xf32, #tpu.memory_space<hbm>> -> memref<1x512x64xf32, #tpu.memory_space<hbm>>
    %dma_wait3A_372 = tpu.memref_squeeze %dma_wait3A_371 : memref<1x512x64xf32, #tpu.memory_space<hbm>> -> memref<512x64xf32, #tpu.memory_space<hbm>>
    %dma_wait3A_373 = arith.constant 1024 : i32
    %dma_wait3A_374 = arith.constant 0 : i32
    %dma_wait3A_375 = tpu.memref_slice %arg4[%add3A, %dma_wait3A_373, %dma_wait3A_374] : memref<32x2048x64xf32, #tpu.memory_space<hbm>> -> memref<1x512x64xf32, #tpu.memory_space<hbm>>
    %dma_wait3A_376 = tpu.memref_squeeze %dma_wait3A_375 : memref<1x512x64xf32, #tpu.memory_space<hbm>> -> memref<512x64xf32, #tpu.memory_space<hbm>>
    tpu.wait_dma2 semaphore(%arg11 : memref<!tpu.dma_semaphore, #tpu.memory_space<semaphore_mem>>) src(%arg6 : memref<512x64xf32, #tpu.memory_space<vmem>>) dst(%dma_wait3A_376 : memref<512x64xf32, #tpu.memory_space<hbm>>)
    %dma_wait3A_377 = arith.constant 1536 : i32
    %dma_wait3A_378 = arith.constant 0 : i32
    %dma_wait3A_379 = tpu.memref_slice %arg4[%add3A, %dma_wait3A_377, %dma_wait3A_378] : memref<32x2048x64xf32, #tpu.memory_space<hbm>> -> memref<1x512x64xf32, #tpu.memory_space<hbm>>
    %dma_wait3A_380 = tpu.memref_squeeze %dma_wait3A_379 : memref<1x512x64xf32, #tpu.memory_space<hbm>> -> memref<512x64xf32, #tpu.memory_space<hbm>>
    %dma_wait3A_381 = arith.constant 1536 : i32
    %dma_wait3A_382 = arith.constant 0 : i32
    %dma_wait3A_383 = tpu.memref_slice %arg4[%add3A, %dma_wait3A_381, %dma_wait3A_382] : memref<32x2048x64xf32, #tpu.memory_space<hbm>> -> memref<1x512x64xf32, #tpu.memory_space<hbm>>
    %dma_wait3A_384 = tpu.memref_squeeze %dma_wait3A_383 : memref<1x512x64xf32, #tpu.memory_space<hbm>> -> memref<512x64xf32, #tpu.memory_space<hbm>>
    tpu.wait_dma2 semaphore(%arg12 : memref<!tpu.dma_semaphore, #tpu.memory_space<semaphore_mem>>) src(%arg7 : memref<512x64xf32, #tpu.memory_space<vmem>>) dst(%dma_wait3A_384 : memref<512x64xf32, #tpu.memory_space<hbm>>)
    return
  }
}

module attributes {stable_mosaic.version = 14 : i64} {
  func.func @_vq_tc_body(%arg0: i32, %arg1: i32, %arg2: memref<1x64x32x64xf32, #tpu.memory_space<vmem>>, %arg3: memref<512x64xf32, #tpu.memory_space<vmem>>, %arg4: memref<1x16x128xi32, #tpu.memory_space<vmem>>, %arg5: memref<1x1xf32, #tpu.memory_space<smem>>) attributes {dimension_semantics = [#tpu.dimension_semantics<arbitrary>, #tpu.dimension_semantics<arbitrary>], iteration_bounds = array<i64: 16, 2>, scalar_prefetch = 0 : i64, scratch_operands = 0 : i64, tpu.core_type = #tpu.core_type<tc>, window_params = [{transform_indices = @transform_0, window_bounds = array<i64: 1, 64, 32, 64>}, {pipeline_mode = #tpu.pipeline_mode<synchronous>, transform_indices = @transform_1, window_bounds = array<i64: 512, 64>}, {transform_indices = @transform_2, window_bounds = array<i64: 1, 16, 128>}, {transform_indices = @transform_3, window_bounds = array<i64: 1, 1>}]} {
    %get3A = arith.constant 0 : index
    %get3A_0 = arith.constant 0 : index
    %get3A_1 = arith.constant 0 : index
    %get3A_2 = arith.constant 0 : index
    %get3A_3 = vector.load %arg2[%get3A, %get3A_0, %get3A_1, %get3A_2] : memref<1x64x32x64xf32, #tpu.memory_space<vmem>>, vector<1x64x32x64xf32>
    %get3A_4 = vector.shape_cast %get3A_3 : vector<1x64x32x64xf32> to vector<64x32x64xf32>
    %reshape3A = vector.shape_cast %get3A_4 : vector<64x32x64xf32> to vector<64x2048xf32>
    %get3A_5 = arith.constant 0 : index
    %get3A_6 = arith.constant 0 : index
    %get3A_7 = vector.load %arg3[%get3A_5, %get3A_6] : memref<512x64xf32, #tpu.memory_space<vmem>>, vector<512x64xf32>
    %mul3A = arith.mulf %get3A_7, %get3A_7 : vector<512x64xf32>
    %reduce_sum3A = arith.constant dense<0.000000e+00> : vector<512xf32>
    %reduce_sum3A_8 = vector.multi_reduction <add>, %mul3A, %reduce_sum3A [1] : vector<512x64xf32> to vector<512xf32>
    %mul3A_9 = arith.mulf %reshape3A, %reshape3A : vector<64x2048xf32>
    %reduce_sum3A_10 = arith.constant dense<0.000000e+00> : vector<2048xf32>
    %reduce_sum3A_11 = vector.multi_reduction <add>, %mul3A_9, %reduce_sum3A_10 [0] : vector<64x2048xf32> to vector<2048xf32>
    %mul3A_12 = arith.constant -2.000000e+00 : f32
    %mul3A_13 = vector.broadcast %mul3A_12 : f32 to vector<512x64xf32>
    %mul3A_14 = arith.mulf %get3A_7, %mul3A_13 : vector<512x64xf32>
    %dot_general3A = arith.constant dense<0.000000e+00> : vector<512x2048xf32>
    %dot_general3A_15 = tpu.matmul %mul3A_14, %reshape3A, %dot_general3A {dimension_numbers = #tpu.dot_dimension_numbers<[1], [0], [0], [1], [0, 0, 1, 1], [], []>, transpose_lhs_hint = false} : vector<512x64xf32>, vector<64x2048xf32>, vector<512x2048xf32> -> vector<512x2048xf32>
    %broadcast_in_dim3A = vector.shape_cast %reduce_sum3A_11 : vector<2048xf32> to vector<1x2048xf32>
    %add3A = vector.broadcast %broadcast_in_dim3A : vector<1x2048xf32> to vector<512x2048xf32>
    %add3A_16 = arith.addf %add3A, %dot_general3A_15 : vector<512x2048xf32>
    %broadcast_in_dim3A_17 = vector.shape_cast %reduce_sum3A_8 : vector<512xf32> to vector<512x1xf32>
    %add3A_18 = vector.broadcast %broadcast_in_dim3A_17 : vector<512x1xf32> to vector<512x2048xf32>
    %add3A_19 = arith.addf %add3A_16, %add3A_18 : vector<512x2048xf32>
    %reduce_min3A = arith.constant dense<0x7F800000> : vector<2048xf32>
    %reduce_min3A_20 = vector.multi_reduction <minimumf>, %add3A_19, %reduce_min3A [0] : vector<512x2048xf32> to vector<2048xf32>
    %iota3A = tpu.iota {dimensions = array<i32: 0>} : vector<512x2048xi32>
    %convert_element_type3A = arith.sitofp %iota3A : vector<512x2048xi32> to vector<512x2048xf32>
    %broadcast_in_dim3A_21 = vector.shape_cast %reduce_min3A_20 : vector<2048xf32> to vector<1x2048xf32>
    %eq3A = vector.broadcast %broadcast_in_dim3A_21 : vector<1x2048xf32> to vector<512x2048xf32>
    %eq3A_22 = arith.cmpf oeq, %add3A_19, %eq3A : vector<512x2048xf32>
    %jit3A = arith.constant 5.120000e+02 : f32
    %broadcast_in_dim3A_23 = vector.broadcast %jit3A : f32 to vector<512x2048xf32>
    %select_n3A = arith.select %eq3A_22, %convert_element_type3A, %broadcast_in_dim3A_23 : vector<512x2048xi1>, vector<512x2048xf32>
    %reduce_min3A_24 = arith.constant dense<0x7F800000> : vector<2048xf32>
    %reduce_min3A_25 = vector.multi_reduction <minimumf>, %select_n3A, %reduce_min3A_24 [0] : vector<512x2048xf32> to vector<2048xf32>
    %convert_element_type3A_26 = arith.fptosi %reduce_min3A_25 : vector<2048xf32> to vector<2048xi32>
    %reshape3A_27 = vector.shape_cast %convert_element_type3A_26 : vector<2048xi32> to vector<16x128xi32>
    %swap3A = arith.constant 0 : index
    %swap3A_28 = arith.constant 0 : index
    %swap3A_29 = arith.constant 0 : index
    %swap3A_30 = vector.load %arg4[%swap3A, %swap3A_28, %swap3A_29] : memref<1x16x128xi32, #tpu.memory_space<vmem>>, vector<1x16x128xi32>
    %swap3A_31 = vector.shape_cast %swap3A_30 : vector<1x16x128xi32> to vector<16x128xi32>
    %swap3A_32 = vector.shape_cast %reshape3A_27 : vector<16x128xi32> to vector<1x16x128xi32>
    tpu.vector_store %arg4[%swap3A, %swap3A_28, %swap3A_29], %swap3A_32 {strides = array<i32>} : memref<1x16x128xi32, #tpu.memory_space<vmem>>, vector<1x16x128xi32>,
    %eq3A_33 = arith.constant 0 : i32
    %eq3A_34 = arith.cmpi eq, %arg0, %eq3A_33 : i32
    %eq3A_35 = arith.constant 0 : i32
    %eq3A_36 = arith.cmpi eq, %arg1, %eq3A_35 : i32
    %and3A = arith.andi %eq3A_34, %eq3A_36 : i1
    %convert_element_type3A_37 = arith.extui %and3A : i1 to i32
    %cond3A = arith.constant 0 : i32
    %cond3A_38 = arith.cmpi ne, %convert_element_type3A_37, %cond3A : i32
    scf.if %cond3A_38 {
      %swap3A_51 = arith.constant 0.000000e+00 : f32
      %swap3A_52 = arith.constant 0 : index
      %swap3A_53 = arith.constant 0 : index
      %swap3A_54 = memref.load %arg5[%swap3A_52, %swap3A_53] : memref<1x1xf32, #tpu.memory_space<smem>>
      memref.store %swap3A_51, %arg5[%swap3A_52, %swap3A_53] : memref<1x1xf32, #tpu.memory_space<smem>>
    } else {
    }
    %get3A_39 = arith.constant 0 : index
    %get3A_40 = arith.constant 0 : index
    %get3A_41 = memref.load %arg5[%get3A_39, %get3A_40] : memref<1x1xf32, #tpu.memory_space<smem>>
    %reduce_sum3A_42 = vector.shape_cast %reduce_min3A_20 : vector<2048xf32> to vector<1x2048xf32>
    %reduce_sum3A_43 = arith.constant dense<0.000000e+00> : vector<1xf32>
    %reduce_sum3A_44 = vector.multi_reduction <add>, %reduce_sum3A_42, %reduce_sum3A_43 [1] : vector<1x2048xf32> to vector<1xf32>
    %reduce_sum3A_45 = vector.shape_cast %reduce_sum3A_44 : vector<1xf32> to vector<1x1xf32>
    %reduce_sum3A_46 = vector.extract %reduce_sum3A_45[0, 0] : f32 from vector<1x1xf32>
    %add3A_47 = arith.addf %get3A_41, %reduce_sum3A_46 : f32
    %swap3A_48 = arith.constant 0 : index
    %swap3A_49 = arith.constant 0 : index
    %swap3A_50 = memref.load %arg5[%swap3A_48, %swap3A_49] : memref<1x1xf32, #tpu.memory_space<smem>>
    memref.store %add3A_47, %arg5[%swap3A_48, %swap3A_49] : memref<1x1xf32, #tpu.memory_space<smem>>
    return
  }
  func.func @transform_0(%arg0: i32, %arg1: i32) -> (i32, i32, i32, i32) {
    %c0_i32 = arith.constant 0 : i32
    %c0_i32_0 = arith.constant 0 : i32
    %c0_i32_1 = arith.constant 0 : i32
    return %arg0, %c0_i32, %arg1, %c0_i32_0 : i32, i32, i32, i32
  }
  func.func @transform_1(%arg0: i32, %arg1: i32) -> (i32, i32) {
    %c0_i32 = arith.constant 0 : i32
    %c0_i32_0 = arith.constant 0 : i32
    %c0_i32_1 = arith.constant 0 : i32
    return %c0_i32, %c0_i32_0 : i32, i32
  }
  func.func @transform_2(%arg0: i32, %arg1: i32) -> (i32, i32, i32) {
    %mul3A = arith.constant 2 : i32
    %mul3A_0 = arith.muli %arg0, %mul3A : i32
    %add3A = arith.addi %mul3A_0, %arg1 : i32
    %c0_i32 = arith.constant 0 : i32
    %c0_i32_1 = arith.constant 0 : i32
    %c0_i32_2 = arith.constant 0 : i32
    return %add3A, %c0_i32, %c0_i32_1 : i32, i32, i32
  }
  func.func @transform_3(%arg0: i32, %arg1: i32) -> (i32, i32) {
    %c0_i32 = arith.constant 0 : i32
    %c0_i32_0 = arith.constant 0 : i32
    %c0_i32_1 = arith.constant 0 : i32
    return %c0_i32, %c0_i32_0 : i32, i32
  }
}

</mosaic_0001>

<sc_bundles>
// kernel: kernel.4.cloned.1.call-start
scs
__scs_entry_jumppad:
0x0: {  	(pc) =	sbr.rel $0x88, $3  }
0x1: {  	(tag) =	ssettag $0x0;
	lr =	simm.s32 $0x1  }
0x2: {  	[smem:$0x3F9F] =	sst lr;
	_ =	strace $0xD0000000  }
0x3: {  	_ = 	snop  }
0x4: {  	_ = 	snop  }
0x5: {  	_ = 	snop  }
0x6: {  	_ = 	snop  }
0x7: {  	_ = 	snop  }
__scs_overlays_trampoline_lowered:
0x8: {  	[smem:$0x3FAE] =	sst s0  }
0x9: {  	[smem:$0x3FAF] =	sst s1  }
0xa: {  	[smem:$0x3FB0] =	sst s2  }
0xb: {  	[smem:$0x3FB1] =	sst s3  }
0xc: {  	[smem:$0x3FB2] =	sst s4  }
0xd: {  	[smem:$0x3FB3] =	sst s5  }
0xe: {  	[smem:$0x3FB4] =	sst s6  }
0xf: {  	[smem:$0x3FB5] =	sst s7  }
0x10: {  	[smem:$0x3FB6] =	sst s8  }
0x11: {  	[smem:$0x3FB7] =	sst s9;
	s0 =	simm.s32 @!p0 $0x0  }
0x12: {  	s1 =	sld [smem:$0x3F9D];
	s0 =	simm.s32 @p0 $0x1  }
0x13: {  	[smem:$0x3FB8] =	sst s0;
	s0 =	simm.s32 @!p1 $0x0  }
0x14: {  	s2 =	sld [smem:$0x3F9C];
	s0 =	simm.s32 @p1 $0x1  }
0x15: {  	[smem:$0x3FB9] =	sst s0;
	s0 =	simm.s32 @!p2 $0x0  }
0x16: {  	s3 =	sld [smem:$0x3FDB];
	s0 =	simm.s32 @p2 $0x1  }
0x17: {  	s4 =	simm.s32 $0x1BF5;
	[smem:$0x3FBB] =	sst s0  }
0x18: {  	s0 =	sld [smem:$0x3F9E];
	_ =	swait.ge [sflag:s4], $0x0  }
0x19: {  	s7 =	sld [smem:$0x3F9F]  }
0x1a: {  	s8 =	sadd.s32 $0xFFFFE003, lr  }
0x1b: {  	s9 =	sadd.s32 $0xFFFFFEF7, lr;
	s5 =	simm.s32 $0xFFFFFFFF;
	p2 =	slt.u32 s8, $0xFFFFF086  }
0x1c: {  	p1 =	slt.u32 s9, $0xF7A;
	s5 =	simm.s32 @!p2 $0x0  }
0x1d: {  	s5 =	simm.s32 @p1 $0x1;
	p0 =	seq.s32 s7, s2  }
0x1e: {  	s7 =	smul.u32 @!p0 $0xF7A, s2;
	p2 =	seq.s32 @!p0 s5, $0x0  }
0x1f: {  	s9 =	smul.u32 $0xF7A, s1;
	s8 =	simm.s32 @!p0 $0x1BF5;
	p2 =	por !p2, p0  }
0x20: {  	[sflag:s8] =	ssyncset.s32 @!p0 $0xFFFFF086;
	s6 =	sadd.s32 @!p0 s3, s7;
	s7 =	simm.s32 @!p0 $0x108  }
0x21: {  	s3 =	sadd.s32 s3, s9;
	s6 =	sadd.s32 @!p0 $0x88, s6;
	s7 =	simm.s32 @p2 $0x1082  }
0x22: {  	[simem:s7], [sflag:s8] =	dma.local @!p0 [hbm:s6], $0xF7A  }
0x23: {  	s9 =	sor.u32 $0xD0000000, s2;
	s6 =	simm.s32 $0x108;
	_ =	swait.ge @!p0 [sflag:s8], $0x0  }
0x24: {  	s3 =	sadd.s32 $0x88, s3;
	s6 =	simm.s32 @!p1 $0x1082;
	[sflag:s4] =	ssyncset.s32 $0xFFFFF086  }
0x25: {  	[simem:s6], [sflag:s4] =	dma.local [hbm:s3], $0xF7A  }
0x26: {  	[smem:$0x3F9F] =	sst s1;
	(tag) =	ssettag s2;
	_ =	strace s9  }
0x27: {  	s1 =	sld [smem:$0x3FAF]  }
0x28: {  	s2 =	sld [smem:$0x3FB0]  }
0x29: {  	s4 =	sld [smem:$0x3FB2]  }
0x2a: {  	p0 =	seq.s32 s5, $0x0;
	s5 =	sld [smem:$0x3FB3]  }
0x2b: {  	s6 =	sld [smem:$0x3FB4]  }
0x2c: {  	s7 =	sld [smem:$0x3FB5]  }
0x2d: {  	s3 =	simm.s32 $0x108;
	s8 =	sld [smem:$0x3FB6]  }
0x2e: {  	s3 =	simm.s32 @!p0 $0x1082;
	s9 =	sld [smem:$0x3FB7]  }
0x2f: {  	lr =	sadd.s32 s0, s3;
	s0 =	sld [smem:$0x3FAE]  }
0x30: {  	s3 =	sld [smem:$0x3FB1]  }
0x31: {  	[smem:$0x3FBA] =	sst s10  }
0x32: {  	s10 =	sld [smem:$0x3FB8];
	_ =	sdelay $0x3  }
0x33: {  	p0 =	seq.s32 s10, $0x1;
	s10 =	sld [smem:$0x3FBA];
	_ =	sdelay $0x3  }
0x34: {  	[smem:$0x3FBA] =	sst s10  }
0x35: {  	s10 =	sld [smem:$0x3FB9];
	_ =	sdelay $0x3  }
0x36: {  	p1 =	seq.s32 s10, $0x1;
	s10 =	sld [smem:$0x3FBA];
	_ =	sdelay $0x3  }
0x37: {  	[smem:$0x3FBA] =	sst s10  }
0x38: {  	s10 =	sld [smem:$0x3FBB]  }
0x39: {  	_ = 	snop;
	(pc) =	sbr.ind lr, $3  }
0x3a: {  	_ = 	snop  }
0x3b: {  	_ = 	snop  }
0x3c: {  	p2 =	seq.s32 s10, $0x1;
	s10 =	sld [smem:$0x3FBA]  }
0x3d: {  	_ =	shalt  }
0x3e: {  	_ =	shalt  }
0x3f: {  	_ =	shalt  }
0x40: {  	_ =	shalt  }
0x41: {  	_ =	shalt  }
0x42: {  	_ =	shalt  }
0x43: {  	_ =	shalt  }
0x44: {  	_ =	shalt  }
0x45: {  	_ =	shalt  }
0x46: {  	_ =	shalt  }
0x47: {  	_ =	shalt  }
0x48: {  	_ =	shalt  }
0x49: {  	_ =	shalt  }
0x4a: {  	_ =	shalt  }
0x4b: {  	_ =	shalt  }
0x4c: {  	_ =	shalt  }
0x4d: {  	_ =	shalt  }
0x4e: {  	_ =	shalt  }
0x4f: {  	_ =	shalt  }
0x50: {  	_ =	shalt  }
0x51: {  	_ =	shalt  }
0x52: {  	_ =	shalt  }
0x53: {  	_ =	shalt  }
0x54: {  	_ =	shalt  }
0x55: {  	_ =	shalt  }
0x56: {  	_ =	shalt  }
0x57: {  	_ =	shalt  }
0x58: {  	_ =	shalt  }
0x59: {  	_ =	shalt  }
0x5a: {  	_ =	shalt  }
0x5b: {  	_ =	shalt  }
0x5c: {  	_ =	shalt  }
0x5d: {  	_ =	shalt  }
0x5e: {  	_ =	shalt  }
0x5f: {  	_ =	shalt  }
0x60: {  	_ =	shalt  }
0x61: {  	_ =	shalt  }
0x62: {  	_ =	shalt  }
0x63: {  	_ =	shalt  }
0x64: {  	_ =	shalt  }
0x65: {  	_ =	shalt  }
0x66: {  	_ =	shalt  }
0x67: {  	_ =	shalt  }
0x68: {  	_ =	shalt  }
0x69: {  	_ =	shalt  }
0x6a: {  	_ =	shalt  }
0x6b: {  	_ =	shalt  }
0x6c: {  	_ =	shalt  }
0x6d: {  	_ =	shalt  }
0x6e: {  	_ =	shalt  }
0x6f: {  	_ =	shalt  }
0x70: {  	_ =	shalt  }
0x71: {  	_ =	shalt  }
0x72: {  	_ =	shalt  }
0x73: {  	_ =	shalt  }
0x74: {  	_ =	shalt  }
0x75: {  	_ =	shalt  }
0x76: {  	_ =	shalt  }
0x77: {  	_ =	shalt  }
0x78: {  	_ =	shalt  }
0x79: {  	_ =	shalt  }
0x7a: {  	_ =	shalt  }
0x7b: {  	_ =	shalt  }
0x7c: {  	_ =	shalt  }
0x7d: {  	_ =	shalt  }
0x7e: {  	_ =	shalt  }
0x7f: {  	_ =	shalt  }
0x80: {  	_ =	shalt  }
0x81: {  	_ =	shalt  }
0x82: {  	_ =	shalt  }
0x83: {  	_ =	shalt  }
0x84: {  	_ =	shalt  }
0x85: {  	_ =	shalt  }
0x86: {  	_ =	shalt  }
0x87: {  	_ =	shalt  }
.Lfunc_end0:
.L_simem_size_0:
called_computation_lowered:
.L_overlay_start_0:
0x88: {  	s2 =	sld [smem:$0x3FD9]  }
0x89: {  	s3 =	sld [smem:$0x3FFE];
	_ =	sdelay $0x1  }
0x8a: {  	s1 =	srdreg.scid  }
0x8b: {  	s0 =	sand.u32 $0x1, s1  }
0x8c: {  	s14 =	sshll.u32 s0, $0xA;
	s2 =	sadd.s32 s3, s2  }
0x8d: {  	s2 =	sadd.s32 s2, s14  }
0x8e: {  	[smem:$0x3FC6] =	sst s2  }
0x8f: {  	_ = 	snop  }
0x90: {  	s2 =	sld [smem:$0x3FD0];
	_ =	sdelay $0x2  }
0x91: {  	s15 =	simm.s32 $0xA;
	s4 =	simm.s32 $0x10  }
0x92: {  	[smem:s4], [sflag:s15] =	dma.local [hbm:s2], $0x1  }
0x93: {  	_ =	swait.eq [sflag:s15], $0x1  }
0x94: {  	[sflag:s15] =	ssyncset.done $0x0  }
0x95: {  	[sflag:s15] =	ssyncadd.s32 $0xFFFFFFFF  }
0x96: {  	s16 =	sld [smem:$0x10];
	(tm) =	ssettm $0x1  }
0x97: {  	s17 =	sld [smem:$0x3FFB];
	_ =	sdelay $0x3  }
0x98: {  	_ =	strace s17  }
0x99: {  	s3 =	sld [smem:$0x3FFC];
	_ =	sdelay $0x3  }
0x9a: {  	_ =	strace s3  }
0x9b: {  	s3 =	sld [smem:$0x3FFD];
	_ =	sdelay $0x3  }
0x9c: {  	_ =	strace s3  }
0x9d: {  	_ =	strace $0x8FFFFFFF  }
0x9e: {  	s18 =	sld [smem:$0x3FDB];
	_ =	sdelay $0x1  }
0x9f: {  	s19 =	simm.s32 $_scs_section_size  }
0xa0: {  	s5 =	simm.s32 $_size__tile_overlayer_lowered;
	s6 =	simm.s32 $_tile_overlayer_lowered  }
0xa1: {  	s22 =	simm.s32 $0x1BFF;
	s21 =	sshll.u32 s6, $0x1;
	s3 =	sadd.s32 s19, s18  }
0xa2: {  	s7 =	simm.s32 $0x0;
	s20 =	sshll.u32 s5, $0x1;
	s5 =	sadd.s32 s21, s3  }
0xa3: {  	[timem:s7], [sflag:s22] =	dma.local [hbm:s5], s20  }
0xa4: {  	_ =	swait.ge [sflag:s22], s20  }
0xa5: {  	s4 =	ssub.s32 $0x0, s20;
	[sflag:s22] =	ssyncset.done $0x0  }
0xa6: {  	[sflag:s22] =	ssyncadd.s32 s4;
	_ =	sdelay $0x1  }
0xa7: {  	s23 =	simm.s32 $0x1B8B  }
0xa8: {  	_ =	swait.ge [sflag:s23], $0x1  }
0xa9: {  	[sflag:s23] =	ssyncset.done $0x0  }
0xaa: {  	s25 =	simm.s32 $0x1B8E;
	s24 =	sld [smem:$0x3FFE];
	[sflag:s23] =	ssyncadd.s32 $0xFFFFFFFF  }
0xab: {  	s26 =	simm.s32 $execute0_lowered;
	[smem:$0x3FD2] =	sst s25  }
0xac: {  	s5 =	sshll.u32 s26, $0x1;
	_ =	strace $0x80000046;
	[dreg:$0x1] =	wrdreg $0xFFFFFFFF  }
0xad: {  	s28 =	simm.s32 $_size_execute0_lowered;
	s3 =	sadd.s32 s3, s5;
	[dreg:$0x0] =	wrdreg $0x0  }
0xae: {  	s5 =	sshll.u32 s28, $0x1;
	[dreg:$0x2] =	wrdreg s3  }
0xaf: {  	[dreg:$0x3] =	wrdreg s5  }
0xb0: {  	[dreg:$0x4] =	wrdreg $0xC0  }
0xb1: {  	_ =	task [dreg:s7], $0x5FFFF  }
0xb2: {  	[dreg:$0x1] =	wrdreg $0xFFFFFFFF  }
0xb3: {  	[dreg:$0x0] =	wrdreg $0x60  }
0xb4: {  	[dreg:$0x2] =	wrdreg s24  }
0xb5: {  	[dreg:$0x3] =	wrdreg s16  }
0xb6: {  	[dreg:$0x4] =	wrdreg $0x108000  }
0xb7: {  	[dreg:$0x5] =	wrdreg $0x9  }
0xb8: {  	_ =	task.clear_ibuf [dreg:s7], $0x6FFFF;
	_ =	strace $0x90000046  }
0xb9: {  	s29 =	simm.s32 $0x9;
	_ =	strace $0x80000048  }
0xba: {  	_ =	swait.ge [sflag:s29], $0x1  }
0xbb: {  	[sflag:s29] =	ssyncadd.s32 $0xFFFFFFFF  }
0xbc: {  	_ =	strace $0x90000048  }
0xbd: {  	_ =	sfence  }
0xbe: {  	s30 =	sld [smem:$0x0];
	_ =	sdelay $0x2  }
0xbf: {  	s31 =	sshll.u32 s1, $0xD;
	s1 =	sshrl.u32 s1, $0x2  }
0xc0: {  	s3 =	sand.u32 $0x4000, s31;
	s1 =	sadd.s32 s1, s30  }
0xc1: {  	s0 =	sor.u32 s3, s0;
	s1 =	sshll.u32 s1, $0x11  }
0xc2: {  	s0 =	sor.u32 s1, s0  }
0xc3: {  	s0 =	sadd.s32 $0x8F2B, s0  }
0xc4: {  	[sflag:s0] =	ssyncadd.remote.s32 $0x1  }
0xc5: {  	_ =	sfence.sel $0xFFFF  }
0xc6: {  	[dreg:$0x0] =	wrdreg $0xFFFFFFFF;
	(pc) =	sbr.abs _section_cstart, $3  }
0xc7: {  	[dreg:$0x1] =	wrdreg $0xFFFFFFFF  }
0xc8: {  	_ =	task.clear_ibuf [dreg:s7], $0x2FFFF;
	_ =	strace $0x9FFFFFFF  }
0xc9: {  	(tm) =	ssettm $0x7FFFFFFF  }
tec
execute0_lowered:
.L_overlay_start_1:
0x0: {  	(tag) =	ssettag $0x1  }
0x1: {  	s0 =	rddreg [dreg:$0x0]  }
0x2: {  	s3 =	rddreg [dreg:$0x1]  }
0x3: {  	s2 =	rddreg [dreg:$0x2]  }
0x4: {  	s30 =	rddreg [dreg:$0x3]  }
0x5: {  	s4 =	srdreg.scid;
	s5 =	stileid.u32  }
0x6: {  	s1 =	simm.s32 $0x0;
	s25 =	simm.s32 $0x5;
	s24 =	simm.s32 $0x100  }
0x7: {  	s26 =	simm.s32 $0x180;
	s14 =	simm.s32 $0x2800;
	s29 =	simm.s32 $0x200  }
0x8: {  	s15 =	simm.s32 $0x4800;
	s31 =	simm.s32 $0x280;
	s17 =	simm.s32 $0x6800  }
0x9: {  	s9 =	simm.s32 $0xA800;
	s10 =	simm.s32 $0xC800;
	s28 =	simm.s32 $0x380  }
0xa: {  	s11 =	simm.s32 $0xE800;
	[smem:$0x7FF] =	sst s1;
	s8 =	sadd.s32 $0xA00, s0  }
0xb: {  	s13 =	simm.s32 $0x1;
	_ =	strace $0x80000047;
	[dreg:$0x4] =	wrdreg s8  }
0xc: {  	p1 =	por $0x0, $0x0;
	s19 =	simm.s32 $0x680;
	[dreg:$0xa] =	wrdreg s24  }
0xd: {  	s4 =	sand.u32 $0x1, s4;
	s6 =	sshll.u32 s5, $0x1;
	[dreg:$0xb] =	wrdreg s26  }
0xe: {  	p0 =	sne.s32 s5, $0x0;
	s5 =	simm.s32 $0x800;
	[dreg:$0xc] =	wrdreg s29  }
0xf: {  	s6 =	sor.u32 s4, s6;
	s20 =	ssub.s32 $0x2, s4;
	[dreg:$0xd] =	wrdreg s31  }
0x10: {  	s26 =	simm.s32 $0x300;
	s8 =	simm.s32 $0x2;
	s24 =	simm.s32 $0x500  }
0x11: {  	s7 =	sshll.u32 s6, $0x8;
	s6 =	sshll.u32 s6, $0xE;
	s4 =	sshrl.u32 s20, $0x1  }
0x12: {  	s0 =	sadd.s32 s7, s0;
	s12 =	sadd.s32 s3, s6;
	s3 =	ssub.s32 s20, s4  }
0x13: {  	s4 =	simm.s32 $0x80;
	s6 =	simm.s32 $0x3;
	s18 =	smax.u32 s3, $0x1  }
0x14: {  	s7 =	simm.s32 $0x4;
	s0 =	sadd.s32 $0x1A00, s0;
	s16 =	sadd.s32 $0xFFFFFFFF, s18  }
0x15: {  	s21 =	sadd.s32 $0x1000, s12;
	[dreg:$0x5] =	wrdreg s0;
	p2 =	sne.s32 s16, $0x0  }
.Ltmp0:
0x16: {  	s22 =	sadd.s32 $0x2000, s12;
	[dreg:$0x6] =	wrdreg s21;
	(pc) =	sbr.rel @!p2 .LBB2_1-.Ltmp0, $4  }
0x17: {  	s20 =	simm.s32 $0x700;
	s23 =	sadd.s32 $0x3000, s12;
	[dreg:$0x7] =	wrdreg s22  }
0x18: {  	s3 =	simm.s32 $0x8800;
	[dreg:$0x8] =	wrdreg s23;
	s0 =	sshrl.u32 @!p0 s2, $0x3  }
0x19: {  	s22 =	simm.s32 $0x400;
	s23 =	simm.s32 $0x480;
	[dreg:$0x9] =	wrdreg s0  }
0x1a: {  	s21 =	simm.s32 $0x580;
	s18 =	simm.s32 $0x780;
	s0 =	rddreg [dreg:$0x9]  }
0x1b: {  	s31 =	rddreg [dreg:$0x4];
	s29 =	simm.s32 @!p0 $0x1C05;
	s30 =	simm.s32 @!p0 $0x5  }
0x1c: {  	[spmem:s0], [sflag:s29] =	dma.local @!p0 [hbm:s31], $0x1000  }
0x1d: {  	_ =	swait.ge @!p0 [sflag:s30], $0x1000  }
0x1e: {  	[sflag:s30] =	ssyncset.done @!p0 $0x0  }
0x1f: {  	s0 =	rddreg [dreg:$0x5];
	[sflag:s30] =	ssyncadd.s32 @!p0 $0xFFFFF000  }
0x20: {  	[tilespmem:s1], [sflag:$0x5] =	stream.linear.gather [hbm4b:s0+s1], $0x800, $0x38;
	[tilespmem:$0x11000] =	vst v63  }
0x21: {  	_ =	swait.ge [sflag:s25], $0x800  }
0x22: {  	[sflag:s25] =	ssyncset.done $0x0  }
0x23: {  	[sflag:s25] =	ssyncadd.s32 $0xFFFFF800  }
0x24: {  	[bflag:$0x0] =	sbarrier.arrive $0xFFFF  }
0x25: {  	[tilespmem:s5], [sflag:$0x1] =	stream.indirect.gather [spmem:s2], $0x40, s1, s4, $0xb8;
	[tilespmem:$0x11000] =	vst v63  }
0x26: {  	_ = 	snop  }
0x27: {  	[tilespmem:s14], [sflag:$0x1] =	stream.indirect.gather [spmem:s2], $0x40, s4, s4, $0xb8;
	[tilespmem:$0x11000] =	vst v63  }
0x28: {  	s0 =	rddreg [dreg:$0xa]  }
0x29: {  	[tilespmem:s15], [sflag:$0x1] =	stream.indirect.gather [spmem:s2], $0x40, s0, s4, $0xb8;
	[tilespmem:$0x11000] =	vst v63  }
0x2a: {  	s31 =	rddreg [dreg:$0xb]  }
0x2b: {  	[tilespmem:s17], [sflag:$0x1] =	stream.indirect.gather [spmem:s2], $0x40, s31, s4, $0xb8;
	[tilespmem:$0x11000] =	vst v63  }
0x2c: {  	s0 =	rddreg [dreg:$0xc]  }
0x2d: {  	[tilespmem:s3], [sflag:$0x2] =	stream.indirect.gather [spmem:s2], $0x40, s0, s4, $0xb8;
	[tilespmem:$0x11000] =	vst v63  }
0x2e: {  	s31 =	rddreg [dreg:$0xd]  }
0x2f: {  	[tilespmem:s9], [sflag:$0x2] =	stream.indirect.gather [spmem:s2], $0x40, s31, s4, $0xb8;
	[tilespmem:$0x11000] =	vst v63  }
0x30: {  	_ = 	snop  }
0x31: {  	[tilespmem:s10], [sflag:$0x2] =	stream.indirect.gather [spmem:s2], $0x40, s26, s4, $0xb8;
	[tilespmem:$0x11000] =	vst v63  }
0x32: {  	_ = 	snop  }
0x33: {  	[tilespmem:s11], [sflag:$0x2] =	stream.indirect.gather [spmem:s2], $0x40, s28, s4, $0xb8;
	[tilespmem:$0x11000] =	vst v63  }
0x34: {  	_ =	swait.ge [sflag:s13], $0x2000  }
0x35: {  	[sflag:s13] =	ssyncset.done $0x0  }
0x36: {  	[sflag:s13] =	ssyncadd.s32 $0xFFFFE000  }
0x37: {  	_ =	swait.ge [sflag:s13], $0x2000  }
0x38: {  	[sflag:s13] =	ssyncset.done $0x0  }
0x39: {  	[sflag:s13] =	ssyncadd.s32 $0xFFFFE000  }
0x3a: {  	_ =	swait.ge [sflag:s13], $0x2000  }
0x3b: {  	[sflag:s13] =	ssyncset.done $0x0  }
0x3c: {  	[sflag:s13] =	ssyncadd.s32 $0xFFFFE000  }
0x3d: {  	_ =	swait.ge [sflag:s13], $0x2000  }
0x3e: {  	[sflag:s13] =	ssyncset.done $0x0  }
0x3f: {  	[sflag:s13] =	ssyncadd.s32 $0xFFFFE000  }
0x40: {  	[hbm4b:s12+s1] =	stream.linear.scatter [tilespmem:s5], [sflag:$0x3], $0x8000, $0x38;
	[tilespmem:$0x11000] =	vst v63  }
0x41: {  	_ =	swait.ge [sflag:s8], $0x2000  }
0x42: {  	[sflag:s8] =	ssyncset.done $0x0  }
0x43: {  	[sflag:s8] =	ssyncadd.s32 $0xFFFFE000  }
0x44: {  	_ =	swait.ge [sflag:s8], $0x2000  }
0x45: {  	[sflag:s8] =	ssyncset.done $0x0  }
0x46: {  	[sflag:s8] =	ssyncadd.s32 $0xFFFFE000  }
0x47: {  	_ =	swait.ge [sflag:s8], $0x2000  }
0x48: {  	[sflag:s8] =	ssyncset.done $0x0  }
0x49: {  	[sflag:s8] =	ssyncadd.s32 $0xFFFFE000  }
0x4a: {  	_ =	swait.ge [sflag:s8], $0x2000  }
0x4b: {  	[sflag:s8] =	ssyncset.done $0x0  }
0x4c: {  	[sflag:s8] =	ssyncadd.s32 $0xFFFFE000  }
0x4d: {  	_ =	swait.ge [sflag:s6], $0x8000  }
0x4e: {  	[sflag:s6] =	ssyncset.done $0x0  }
0x4f: {  	[sflag:s6] =	ssyncadd.s32 $0xFFFF8000  }
0x50: {  	[tilespmem:s5], [sflag:$0x1] =	stream.indirect.gather [spmem:s2], $0x40, s22, s4, $0xb8;
	[tilespmem:$0x11000] =	vst v63  }
0x51: {  	_ = 	snop  }
0x52: {  	[tilespmem:s14], [sflag:$0x1] =	stream.indirect.gather [spmem:s2], $0x40, s23, s4, $0xb8;
	[tilespmem:$0x11000] =	vst v63  }
0x53: {  	_ = 	snop  }
0x54: {  	[tilespmem:s15], [sflag:$0x1] =	stream.indirect.gather [spmem:s2], $0x40, s24, s4, $0xb8;
	[tilespmem:$0x11000] =	vst v63  }
0x55: {  	_ = 	snop  }
0x56: {  	[tilespmem:s17], [sflag:$0x1] =	stream.indirect.gather [spmem:s2], $0x40, s21, s4, $0xb8;
	[tilespmem:$0x11000] =	vst v63  }
0x57: {  	s0 =	rddreg [dreg:$0x6]  }
0x58: {  	[hbm4b:s0+s1] =	stream.linear.scatter [tilespmem:s3], [sflag:$0x4], $0x8000, $0x38;
	[tilespmem:$0x11000] =	vst v63  }
0x59: {  	_ =	swait.ge [sflag:s13], $0x2000  }
0x5a: {  	[sflag:s13] =	ssyncset.done $0x0  }
0x5b: {  	[sflag:s13] =	ssyncadd.s32 $0xFFFFE000  }
0x5c: {  	_ =	swait.ge [sflag:s13], $0x2000  }
0x5d: {  	[sflag:s13] =	ssyncset.done $0x0  }
0x5e: {  	[sflag:s13] =	ssyncadd.s32 $0xFFFFE000  }
0x5f: {  	_ =	swait.ge [sflag:s13], $0x2000  }
0x60: {  	[sflag:s13] =	ssyncset.done $0x0  }
0x61: {  	[sflag:s13] =	ssyncadd.s32 $0xFFFFE000  }
0x62: {  	_ =	swait.ge [sflag:s13], $0x2000  }
0x63: {  	[sflag:s13] =	ssyncset.done $0x0  }
0x64: {  	[sflag:s13] =	ssyncadd.s32 $0xFFFFE000  }
0x65: {  	_ =	swait.ge [sflag:s7], $0x8000  }
0x66: {  	[sflag:s7] =	ssyncset.done $0x0  }
0x67: {  	s0 =	simm.s32 $0x600;
	[sflag:s7] =	ssyncadd.s32 $0xFFFF8000  }
0x68: {  	[tilespmem:s3], [sflag:$0x2] =	stream.indirect.gather [spmem:s2], $0x40, s0, s4, $0xb8;
	[tilespmem:$0x11000] =	vst v63  }
0x69: {  	_ = 	snop  }
0x6a: {  	[tilespmem:s9], [sflag:$0x2] =	stream.indirect.gather [spmem:s2], $0x40, s19, s4, $0xb8;
	[tilespmem:$0x11000] =	vst v63  }
0x6b: {  	_ = 	snop  }
0x6c: {  	[tilespmem:s10], [sflag:$0x2] =	stream.indirect.gather [spmem:s2], $0x40, s20, s4, $0xb8;
	[tilespmem:$0x11000] =	vst v63  }
0x6d: {  	_ = 	snop  }
0x6e: {  	[tilespmem:s11], [sflag:$0x2] =	stream.indirect.gather [spmem:s2], $0x40, s18, s4, $0xb8;
	[tilespmem:$0x11000] =	vst v63  }
0x6f: {  	s0 =	rddreg [dreg:$0x7]  }
0x70: {  	[hbm4b:s0+s1] =	stream.linear.scatter [tilespmem:s5], [sflag:$0x3], $0x8000, $0x38;
	[tilespmem:$0x11000] =	vst v63  }
0x71: {  	_ =	swait.ge [sflag:s8], $0x2000  }
0x72: {  	[sflag:s8] =	ssyncset.done $0x0  }
0x73: {  	[sflag:s8] =	ssyncadd.s32 $0xFFFFE000  }
0x74: {  	_ =	swait.ge [sflag:s8], $0x2000  }
0x75: {  	[sflag:s8] =	ssyncset.done $0x0  }
0x76: {  	[sflag:s8] =	ssyncadd.s32 $0xFFFFE000  }
0x77: {  	_ =	swait.ge [sflag:s8], $0x2000  }
0x78: {  	[sflag:s8] =	ssyncset.done $0x0  }
0x79: {  	[sflag:s8] =	ssyncadd.s32 $0xFFFFE000  }
0x7a: {  	_ =	swait.ge [sflag:s8], $0x2000  }
0x7b: {  	s31 =	sadd.s32 $0xFFFFFFFF, s16;
	[sflag:s8] =	ssyncset.done $0x0  }
0x7c: {  	p2 =	sne.s32 s31, $0x0;
	s0 =	rddreg [dreg:$0x8];
	[sflag:s8] =	ssyncadd.s32 $0xFFFFE000  }
0x7d: {  	[hbm4b:s0+s1] =	stream.linear.scatter [tilespmem:s3], [sflag:$0x4], $0x8000, $0x38;
	[tilespmem:$0x11000] =	vst v63  }
.Ltmp1:
0x7e: {  	_ =	swait.ge [sflag:s6], $0x8000;
	(pc) =	sbr.rel @!p2 .LBB2_3-.Ltmp1, $4  }
0x7f: {  	[sflag:s6] =	ssyncset.done $0x0  }
0x80: {  	[sflag:s6] =	ssyncadd.s32 $0xFFFF8000  }
0x81: {  	_ =	swait.ge [sflag:s7], $0x8000  }
0x82: {  	p1 =	por $0x1, $0x1;
	s0 =	rddreg [dreg:$0x9];
	[sflag:s7] =	ssyncset.done $0x0  }
.LBB2_4:
0x83: {  	s16 =	rddreg [dreg:$0x4];
	[sflag:s7] =	ssyncadd.s32 $0xFFFF8000  }
0x84: {  	[spmem:s0], [sflag:s29] =	dma.local @!p0 [hbm:s16], $0x1000  }
0x85: {  	_ =	swait.ge @!p0 [sflag:s30], $0x1000  }
0x86: {  	[sflag:s30] =	ssyncset.done @!p0 $0x0  }
0x87: {  	s16 =	rddreg [dreg:$0x5];
	[sflag:s30] =	ssyncadd.s32 @!p0 $0xFFFFF000  }
0x88: {  	[tilespmem:s1], [sflag:$0x5] =	stream.linear.gather [hbm4b:s16+s1], $0x800, $0x38;
	[tilespmem:$0x11000] =	vst v63  }
0x89: {  	_ =	swait.ge [sflag:s25], $0x800  }
0x8a: {  	[sflag:s25] =	ssyncset.done $0x0  }
0x8b: {  	[sflag:s25] =	ssyncadd.s32 $0xFFFFF800  }
0x8c: {  	[bflag:$0x0] =	sbarrier.arrive $0xFFFF  }
0x8d: {  	[tilespmem:s5], [sflag:$0x1] =	stream.indirect.gather [spmem:s2], $0x40, s1, s4, $0xb8;
	[tilespmem:$0x11000] =	vst v63  }
0x8e: {  	_ = 	snop  }
0x8f: {  	[tilespmem:s14], [sflag:$0x1] =	stream.indirect.gather [spmem:s2], $0x40, s4, s4, $0xb8;
	[tilespmem:$0x11000] =	vst v63  }
0x90: {  	s0 =	rddreg [dreg:$0xa]  }
0x91: {  	[tilespmem:s15], [sflag:$0x1] =	stream.indirect.gather [spmem:s2], $0x40, s0, s4, $0xb8;
	[tilespmem:$0x11000] =	vst v63  }
0x92: {  	s16 =	rddreg [dreg:$0xb]  }
0x93: {  	[tilespmem:s17], [sflag:$0x1] =	stream.indirect.gather [spmem:s2], $0x40, s16, s4, $0xb8;
	[tilespmem:$0x11000] =	vst v63  }
0x94: {  	s0 =	rddreg [dreg:$0xc]  }
0x95: {  	[tilespmem:s3], [sflag:$0x2] =	stream.indirect.gather [spmem:s2], $0x40, s0, s4, $0xb8;
	[tilespmem:$0x11000] =	vst v63  }
0x96: {  	s16 =	rddreg [dreg:$0xd]  }
0x97: {  	[tilespmem:s9], [sflag:$0x2] =	stream.indirect.gather [spmem:s2], $0x40, s16, s4, $0xb8;
	[tilespmem:$0x11000] =	vst v63  }
0x98: {  	_ = 	snop  }
0x99: {  	[tilespmem:s10], [sflag:$0x2] =	stream.indirect.gather [spmem:s2], $0x40, s26, s4, $0xb8;
	[tilespmem:$0x11000] =	vst v63  }
0x9a: {  	_ = 	snop  }
0x9b: {  	[tilespmem:s11], [sflag:$0x2] =	stream.indirect.gather [spmem:s2], $0x40, s28, s4, $0xb8;
	[tilespmem:$0x11000] =	vst v63  }
0x9c: {  	_ =	swait.ge [sflag:s13], $0x2000  }
0x9d: {  	[sflag:s13] =	ssyncset.done $0x0  }
0x9e: {  	[sflag:s13] =	ssyncadd.s32 $0xFFFFE000  }
0x9f: {  	_ =	swait.ge [sflag:s13], $0x2000  }
0xa0: {  	[sflag:s13] =	ssyncset.done $0x0  }
0xa1: {  	[sflag:s13] =	ssyncadd.s32 $0xFFFFE000  }
0xa2: {  	_ =	swait.ge [sflag:s13], $0x2000  }
0xa3: {  	[sflag:s13] =	ssyncset.done $0x0  }
0xa4: {  	[sflag:s13] =	ssyncadd.s32 $0xFFFFE000  }
0xa5: {  	_ =	swait.ge [sflag:s13], $0x2000  }
0xa6: {  	[sflag:s13] =	ssyncset.done $0x0  }
0xa7: {  	[sflag:s13] =	ssyncadd.s32 $0xFFFFE000  }
0xa8: {  	[hbm4b:s12+s1] =	stream.linear.scatter [tilespmem:s5], [sflag:$0x3], $0x8000, $0x38;
	[tilespmem:$0x11000] =	vst v63  }
0xa9: {  	_ =	swait.ge [sflag:s8], $0x2000  }
0xaa: {  	[sflag:s8] =	ssyncset.done $0x0  }
0xab: {  	[sflag:s8] =	ssyncadd.s32 $0xFFFFE000  }
0xac: {  	_ =	swait.ge [sflag:s8], $0x2000  }
0xad: {  	[sflag:s8] =	ssyncset.done $0x0  }
0xae: {  	[sflag:s8] =	ssyncadd.s32 $0xFFFFE000  }
0xaf: {  	_ =	swait.ge [sflag:s8], $0x2000  }
0xb0: {  	[sflag:s8] =	ssyncset.done $0x0  }
0xb1: {  	[sflag:s8] =	ssyncadd.s32 $0xFFFFE000  }
0xb2: {  	_ =	swait.ge [sflag:s8], $0x2000  }
0xb3: {  	[sflag:s8] =	ssyncset.done $0x0  }
0xb4: {  	[sflag:s8] =	ssyncadd.s32 $0xFFFFE000  }
0xb5: {  	_ =	swait.ge [sflag:s6], $0x8000  }
0xb6: {  	[sflag:s6] =	ssyncset.done $0x0  }
0xb7: {  	[sflag:s6] =	ssyncadd.s32 $0xFFFF8000  }
0xb8: {  	[tilespmem:s5], [sflag:$0x1] =	stream.indirect.gather [spmem:s2], $0x40, s22, s4, $0xb8;
	[tilespmem:$0x11000] =	vst v63  }
0xb9: {  	_ = 	snop  }
0xba: {  	[tilespmem:s14], [sflag:$0x1] =	stream.indirect.gather [spmem:s2], $0x40, s23, s4, $0xb8;
	[tilespmem:$0x11000] =	vst v63  }
0xbb: {  	_ = 	snop  }
0xbc: {  	[tilespmem:s15], [sflag:$0x1] =	stream.indirect.gather [spmem:s2], $0x40, s24, s4, $0xb8;
	[tilespmem:$0x11000] =	vst v63  }
0xbd: {  	_ = 	snop  }
0xbe: {  	[tilespmem:s17], [sflag:$0x1] =	stream.indirect.gather [spmem:s2], $0x40, s21, s4, $0xb8;
	[tilespmem:$0x11000] =	vst v63  }
0xbf: {  	s0 =	rddreg [dreg:$0x6]  }
0xc0: {  	[hbm4b:s0+s1] =	stream.linear.scatter [tilespmem:s3], [sflag:$0x4], $0x8000, $0x38;
	[tilespmem:$0x11000] =	vst v63  }
0xc1: {  	_ =	swait.ge [sflag:s13], $0x2000  }
0xc2: {  	[sflag:s13] =	ssyncset.done $0x0  }
0xc3: {  	[sflag:s13] =	ssyncadd.s32 $0xFFFFE000  }
0xc4: {  	_ =	swait.ge [sflag:s13], $0x2000  }
0xc5: {  	[sflag:s13] =	ssyncset.done $0x0  }
0xc6: {  	[sflag:s13] =	ssyncadd.s32 $0xFFFFE000  }
0xc7: {  	_ =	swait.ge [sflag:s13], $0x2000  }
0xc8: {  	[sflag:s13] =	ssyncset.done $0x0  }
0xc9: {  	[sflag:s13] =	ssyncadd.s32 $0xFFFFE000  }
0xca: {  	_ =	swait.ge [sflag:s13], $0x2000  }
0xcb: {  	[sflag:s13] =	ssyncset.done $0x0  }
0xcc: {  	[sflag:s13] =	ssyncadd.s32 $0xFFFFE000  }
0xcd: {  	_ =	swait.ge [sflag:s7], $0x8000  }
0xce: {  	[sflag:s7] =	ssyncset.done $0x0  }
0xcf: {  	s16 =	simm.s32 $0x600;
	[sflag:s7] =	ssyncadd.s32 $0xFFFF8000  }
0xd0: {  	[tilespmem:s3], [sflag:$0x2] =	stream.indirect.gather [spmem:s2], $0x40, s16, s4, $0xb8;
	[tilespmem:$0x11000] =	vst v63  }
0xd1: {  	_ = 	snop  }
0xd2: {  	[tilespmem:s9], [sflag:$0x2] =	stream.indirect.gather [spmem:s2], $0x40, s19, s4, $0xb8;
	[tilespmem:$0x11000] =	vst v63  }
0xd3: {  	_ = 	snop  }
0xd4: {  	[tilespmem:s10], [sflag:$0x2] =	stream.indirect.gather [spmem:s2], $0x40, s20, s4, $0xb8;
	[tilespmem:$0x11000] =	vst v63  }
0xd5: {  	_ = 	snop  }
0xd6: {  	[tilespmem:s11], [sflag:$0x2] =	stream.indirect.gather [spmem:s2], $0x40, s18, s4, $0xb8;
	[tilespmem:$0x11000] =	vst v63  }
0xd7: {  	s16 =	rddreg [dreg:$0x7]  }
0xd8: {  	[hbm4b:s16+s1] =	stream.linear.scatter [tilespmem:s5], [sflag:$0x3], $0x8000, $0x38;
	[tilespmem:$0x11000] =	vst v63  }
0xd9: {  	_ =	swait.ge [sflag:s8], $0x2000  }
0xda: {  	[sflag:s8] =	ssyncset.done $0x0  }
0xdb: {  	[sflag:s8] =	ssyncadd.s32 $0xFFFFE000  }
0xdc: {  	_ =	swait.ge [sflag:s8], $0x2000  }
0xdd: {  	[sflag:s8] =	ssyncset.done $0x0  }
0xde: {  	[sflag:s8] =	ssyncadd.s32 $0xFFFFE000  }
0xdf: {  	_ =	swait.ge [sflag:s8], $0x2000  }
0xe0: {  	[sflag:s8] =	ssyncset.done $0x0  }
0xe1: {  	[sflag:s8] =	ssyncadd.s32 $0xFFFFE000  }
0xe2: {  	_ =	swait.ge [sflag:s8], $0x2000  }
0xe3: {  	s31 =	sadd.s32 $0xFFFFFFFF, s31;
	[sflag:s8] =	ssyncset.done $0x0  }
0xe4: {  	p2 =	sne.s32 s31, $0x0;
	s16 =	rddreg [dreg:$0x8];
	[sflag:s8] =	ssyncadd.s32 $0xFFFFE000  }
0xe5: {  	[hbm4b:s16+s1] =	stream.linear.scatter [tilespmem:s3], [sflag:$0x4], $0x8000, $0x38;
	[tilespmem:$0x11000] =	vst v63  }
.Ltmp2:
0xe6: {  	_ =	swait.ge [sflag:s6], $0x8000;
	(pc) =	sbr.rel @p2 .LBB2_4-.Ltmp2, $4  }
0xe7: {  	[sflag:s6] =	ssyncset.done $0x0  }
0xe8: {  	[sflag:s6] =	ssyncadd.s32 $0xFFFF8000  }
0xe9: {  	_ =	swait.ge [sflag:s7], $0x8000  }
0xea: {  	s0 =	rddreg [dreg:$0x9];
	[sflag:s7] =	ssyncset.done $0x0  }
0xeb: {  	s31 =	simm.s32 $0x600;
	s30 =	rddreg [dreg:$0x3]  }
.LBB2_6:
0xec: {  	s16 =	rddreg [dreg:$0x4];
	[sflag:s7] =	ssyncadd.s32 @p1 $0xFFFF8000;
	s29 =	simm.s32 @!p0 $0x1C05  }
0xed: {  	[spmem:s0], [sflag:s29] =	dma.local @!p0 [hbm:s16], $0x1000  }
0xee: {  	s0 =	simm.s32 @!p0 $0x5  }
0xef: {  	_ =	swait.ge @!p0 [sflag:s0], $0x1000  }
0xf0: {  	[sflag:s0] =	ssyncset.done @!p0 $0x0  }
0xf1: {  	s29 =	rddreg [dreg:$0x5];
	[sflag:s0] =	ssyncadd.s32 @!p0 $0xFFFFF000  }
0xf2: {  	[tilespmem:s1], [sflag:$0x5] =	stream.linear.gather [hbm4b:s29+s1], $0x800, $0x38;
	[tilespmem:$0x11000] =	vst v63  }
0xf3: {  	_ =	swait.ge [sflag:s25], $0x800  }
0xf4: {  	[sflag:s25] =	ssyncset.done $0x0  }
0xf5: {  	[sflag:s25] =	ssyncadd.s32 $0xFFFFF800  }
0xf6: {  	[bflag:$0x0] =	sbarrier.arrive $0xFFFF  }
0xf7: {  	[tilespmem:s5], [sflag:$0x1] =	stream.indirect.gather [spmem:s2], $0x40, s1, s4, $0xb8;
	[tilespmem:$0x11000] =	vst v63  }
0xf8: {  	_ = 	snop  }
0xf9: {  	[tilespmem:s14], [sflag:$0x1] =	stream.indirect.gather [spmem:s2], $0x40, s4, s4, $0xb8;
	[tilespmem:$0x11000] =	vst v63  }
0xfa: {  	s16 =	rddreg [dreg:$0xa]  }
0xfb: {  	[tilespmem:s15], [sflag:$0x1] =	stream.indirect.gather [spmem:s2], $0x40, s16, s4, $0xb8;
	[tilespmem:$0x11000] =	vst v63  }
0xfc: {  	s25 =	rddreg [dreg:$0xb]  }
0xfd: {  	[tilespmem:s17], [sflag:$0x1] =	stream.indirect.gather [spmem:s2], $0x40, s25, s4, $0xb8;
	[tilespmem:$0x11000] =	vst v63  }
0xfe: {  	s29 =	rddreg [dreg:$0xc]  }
0xff: {  	[tilespmem:s3], [sflag:$0x2] =	stream.indirect.gather [spmem:s2], $0x40, s29, s4, $0xb8;
	[tilespmem:$0x11000] =	vst v63  }
0x100: {  	s25 =	rddreg [dreg:$0xd]  }
0x101: {  	[tilespmem:s9], [sflag:$0x2] =	stream.indirect.gather [spmem:s2], $0x40, s25, s4, $0xb8;
	[tilespmem:$0x11000] =	vst v63  }
0x102: {  	_ = 	snop  }
0x103: {  	[tilespmem:s10], [sflag:$0x2] =	stream.indirect.gather [spmem:s2], $0x40, s26, s4, $0xb8;
	[tilespmem:$0x11000] =	vst v63  }
0x104: {  	_ = 	snop  }
0x105: {  	[tilespmem:s11], [sflag:$0x2] =	stream.indirect.gather [spmem:s2], $0x40, s28, s4, $0xb8;
	[tilespmem:$0x11000] =	vst v63  }
0x106: {  	_ =	swait.ge [sflag:s13], $0x2000  }
0x107: {  	[sflag:s13] =	ssyncset.done $0x0  }
0x108: {  	[sflag:s13] =	ssyncadd.s32 $0xFFFFE000  }
0x109: {  	_ =	swait.ge [sflag:s13], $0x2000  }
0x10a: {  	[sflag:s13] =	ssyncset.done $0x0  }
0x10b: {  	[sflag:s13] =	ssyncadd.s32 $0xFFFFE000  }
0x10c: {  	_ =	swait.ge [sflag:s13], $0x2000  }
0x10d: {  	[sflag:s13] =	ssyncset.done $0x0  }
0x10e: {  	[sflag:s13] =	ssyncadd.s32 $0xFFFFE000  }
0x10f: {  	_ =	swait.ge [sflag:s13], $0x2000  }
0x110: {  	[sflag:s13] =	ssyncset.done $0x0  }
0x111: {  	[sflag:s13] =	ssyncadd.s32 $0xFFFFE000  }
0x112: {  	[hbm4b:s12+s1] =	stream.linear.scatter [tilespmem:s5], [sflag:$0x3], $0x8000, $0x38;
	[tilespmem:$0x11000] =	vst v63  }
0x113: {  	_ =	swait.ge [sflag:s8], $0x2000  }
0x114: {  	[sflag:s8] =	ssyncset.done $0x0  }
0x115: {  	[sflag:s8] =	ssyncadd.s32 $0xFFFFE000  }
0x116: {  	_ =	swait.ge [sflag:s8], $0x2000  }
0x117: {  	[sflag:s8] =	ssyncset.done $0x0  }
0x118: {  	[sflag:s8] =	ssyncadd.s32 $0xFFFFE000  }
0x119: {  	_ =	swait.ge [sflag:s8], $0x2000  }
0x11a: {  	[sflag:s8] =	ssyncset.done $0x0  }
0x11b: {  	[sflag:s8] =	ssyncadd.s32 $0xFFFFE000  }
0x11c: {  	_ =	swait.ge [sflag:s8], $0x2000  }
0x11d: {  	[sflag:s8] =	ssyncset.done $0x0  }
0x11e: {  	[sflag:s8] =	ssyncadd.s32 $0xFFFFE000  }
0x11f: {  	_ =	swait.ge [sflag:s6], $0x8000  }
0x120: {  	[sflag:s6] =	ssyncset.done $0x0  }
0x121: {  	[sflag:s6] =	ssyncadd.s32 $0xFFFF8000  }
0x122: {  	[tilespmem:s5], [sflag:$0x1] =	stream.indirect.gather [spmem:s2], $0x40, s22, s4, $0xb8;
	[tilespmem:$0x11000] =	vst v63  }
0x123: {  	_ = 	snop  }
0x124: {  	[tilespmem:s14], [sflag:$0x1] =	stream.indirect.gather [spmem:s2], $0x40, s23, s4, $0xb8;
	[tilespmem:$0x11000] =	vst v63  }
0x125: {  	_ = 	snop  }
0x126: {  	[tilespmem:s15], [sflag:$0x1] =	stream.indirect.gather [spmem:s2], $0x40, s24, s4, $0xb8;
	[tilespmem:$0x11000] =	vst v63  }
0x127: {  	_ = 	snop  }
0x128: {  	[tilespmem:s17], [sflag:$0x1] =	stream.indirect.gather [spmem:s2], $0x40, s21, s4, $0xb8;
	[tilespmem:$0x11000] =	vst v63  }
0x129: {  	s28 =	rddreg [dreg:$0x6]  }
0x12a: {  	[hbm4b:s28+s1] =	stream.linear.scatter [tilespmem:s3], [sflag:$0x4], $0x8000, $0x38;
	[tilespmem:$0x11000] =	vst v63  }
0x12b: {  	_ =	swait.ge [sflag:s13], $0x2000  }
0x12c: {  	[sflag:s13] =	ssyncset.done $0x0  }
0x12d: {  	[sflag:s13] =	ssyncadd.s32 $0xFFFFE000  }
0x12e: {  	_ =	swait.ge [sflag:s13], $0x2000  }
0x12f: {  	[sflag:s13] =	ssyncset.done $0x0  }
0x130: {  	[sflag:s13] =	ssyncadd.s32 $0xFFFFE000  }
0x131: {  	_ =	swait.ge [sflag:s13], $0x2000  }
0x132: {  	[sflag:s13] =	ssyncset.done $0x0  }
0x133: {  	[sflag:s13] =	ssyncadd.s32 $0xFFFFE000  }
0x134: {  	_ =	swait.ge [sflag:s13], $0x2000  }
0x135: {  	[sflag:s13] =	ssyncset.done $0x0  }
0x136: {  	[sflag:s13] =	ssyncadd.s32 $0xFFFFE000  }
0x137: {  	_ =	swait.ge [sflag:s7], $0x8000  }
0x138: {  	[sflag:s7] =	ssyncset.done $0x0  }
0x139: {  	[sflag:s7] =	ssyncadd.s32 $0xFFFF8000  }
0x13a: {  	[tilespmem:s3], [sflag:$0x2] =	stream.indirect.gather [spmem:s2], $0x40, s31, s4, $0xb8;
	[tilespmem:$0x11000] =	vst v63  }
0x13b: {  	_ = 	snop  }
0x13c: {  	[tilespmem:s9], [sflag:$0x2] =	stream.indirect.gather [spmem:s2], $0x40, s19, s4, $0xb8;
	[tilespmem:$0x11000] =	vst v63  }
0x13d: {  	_ = 	snop  }
0x13e: {  	[tilespmem:s10], [sflag:$0x2] =	stream.indirect.gather [spmem:s2], $0x40, s20, s4, $0xb8;
	[tilespmem:$0x11000] =	vst v63  }
0x13f: {  	_ = 	snop  }
0x140: {  	[tilespmem:s11], [sflag:$0x2] =	stream.indirect.gather [spmem:s2], $0x40, s18, s4, $0xb8;
	[tilespmem:$0x11000] =	vst v63  }
0x141: {  	s29 =	rddreg [dreg:$0x7]  }
0x142: {  	[hbm4b:s29+s1] =	stream.linear.scatter [tilespmem:s5], [sflag:$0x3], $0x8000, $0x38;
	[tilespmem:$0x11000] =	vst v63  }
0x143: {  	_ =	swait.ge [sflag:s8], $0x2000  }
0x144: {  	[sflag:s8] =	ssyncset.done $0x0  }
0x145: {  	[sflag:s8] =	ssyncadd.s32 $0xFFFFE000  }
0x146: {  	_ =	swait.ge [sflag:s8], $0x2000  }
0x147: {  	[sflag:s8] =	ssyncset.done $0x0  }
0x148: {  	[sflag:s8] =	ssyncadd.s32 $0xFFFFE000  }
0x149: {  	_ =	swait.ge [sflag:s8], $0x2000  }
0x14a: {  	[sflag:s8] =	ssyncset.done $0x0  }
0x14b: {  	[sflag:s8] =	ssyncadd.s32 $0xFFFFE000  }
0x14c: {  	_ =	swait.ge [sflag:s8], $0x2000  }
0x14d: {  	[sflag:s8] =	ssyncset.done $0x0  }
0x14e: {  	s31 =	rddreg [dreg:$0x8];
	[sflag:s8] =	ssyncadd.s32 $0xFFFFE000  }
0x14f: {  	[hbm4b:s31+s1] =	stream.linear.scatter [tilespmem:s3], [sflag:$0x4], $0x8000, $0x38;
	[tilespmem:$0x11000] =	vst v63  }
0x150: {  	_ =	swait.ge [sflag:s6], $0x8000  }
0x151: {  	[sflag:s6] =	ssyncset.done $0x0  }
0x152: {  	[sflag:s6] =	ssyncadd.s32 $0xFFFF8000  }
0x153: {  	_ =	swait.ge [sflag:s7], $0x8000  }
0x154: {  	[sflag:s7] =	ssyncset.done $0x0  }
0x155: {  	[sflag:s7] =	ssyncadd.s32 $0xFFFF8000  }
0x156: {  	_ =	sfence.sel $0x180000  }
0x157: {  	[bflag:$0x0] =	sbarrier.arrive $0xFFFF  }
0x158: {  	_ =	strace $0x90000047  }
0x159: {  	s0 =	sadd.s32 @!p0 $0x100000, s30;
	[bflag:$0x2] =	sbarrier.arrive $0xFFFF  }
0x15a: {  	[sflag:s0] =	ssyncadd.tile.s32 @!p0 $0x1;
	_ =	shalt  }
.LBB2_1:
.Ltmp3:
0x15b: {  	(pc) =	sbr.rel .LBB2_6-.Ltmp3, $2  }
0x15c: {  	_ =	sdelay $0x2  }
0x15d: {  	s31 =	simm.s32 $0x600  }
.LBB2_3:
.Ltmp4:
0x15e: {  	(pc) =	sbr.rel .LBB2_6-.Ltmp4, $2  }
0x15f: {  	_ =	sdelay $0x2  }
0x160: {  	s31 =	simm.s32 $0x600;
	s30 =	rddreg [dreg:$0x3]  }
.Lfunc_end2:
_tile_overlayer_lowered:
.L_overlay_start_2:
0x161: {  	(tag) =	ssettag $0x2  }
0x162: {  	s0 =	rddreg [dreg:$0x0];
	s2 =	stileid.u32  }
0x163: {  	s1 =	rddreg [dreg:$0x1];
	p0 =	sne.s32 s2, $0x0  }
0x164: {  	s3 =	rddreg [dreg:$0x2];
	[bflag:$0x3] =	sbarrier.arrive $0xFFFF;
	s2 =	simm.s32 @!p0 $0x1C05  }
0x165: {  	[timem:s3], [sflag:s2] =	dma.local @!p0 [hbm:s0], s1  }
0x166: {  	s0 =	simm.s32 @!p0 $0x5  }
0x167: {  	_ =	swait.ge @!p0 [sflag:s0], s1  }
0x168: {  	s1 =	ssub.s32 @!p0 $0x0, s1;
	[sflag:s0] =	ssyncset.done @!p0 $0x0  }
0x169: {  	[sflag:s0] =	ssyncadd.s32 @!p0 s1  }
0x16a: {  	[bflag:$0x3] =	sbarrier.arrive $0xFFFF  }
0x16b: {  	_ =	shalt  }

</sc_bundles>
